<compile_context>
chip_gen: v7x
topology: tpu7x:2x2x1
jax: 0.10.2.dev20260603
libtpu: 0.0.44.dev20260713+nightly
codegen_flags: <defaults>
</compile_context>

<pallas_src>
import functools

import jax
import jax.numpy as jnp
from jax import lax
from jax.experimental import pallas as pl
from jax.experimental.pallas import tpu as pltpu
from jax.experimental.pallas import tpu_sc as plsc

_BATCH = 16384
_HIST = 50
_DIM = 32

_NC = 2
_NS = 16
_NW = _NC * _NS
_BSLICE = _BATCH // _NW
_PITCH = 513


def _gather_kernel(table_hbm, idx_hbm, out_hbm, idx_v, g_v, gs_v, gt_v,
                   gsem, wsem):
    wid = lax.axis_index("s") * _NC + lax.axis_index("c")
    b0 = wid * _BSLICE

    lane = lax.iota(jnp.int32, 16)
    d_lo = lane * _PITCH
    d_hi = d_lo + 16 * _PITCH

    def start_gather(h, b):
        pltpu.sync_copy(idx_hbm.at[h, pl.ds(b0, _BSLICE)], idx_v.at[b])
        pltpu.async_copy(table_hbm.at[idx_v.at[b]], g_v.at[b], gsem.at[b])

    def wait_gather(b):
        pltpu.make_async_copy(
            table_hbm.at[idx_v.at[b]], g_v.at[b], gsem.at[b]
        ).wait()

    def wait_writeback(h, b):
        pltpu.make_async_copy(
            gt_v.at[b], out_hbm.at[h, :, pl.ds(b0, _BSLICE)], wsem.at[b]
        ).wait()

    for b in range(2):
        start_gather(b, b)

    @pl.loop(0, _HIST, step=2)
    def _h_loop(h2):
        for b in range(2):
            h = h2 + b
            wait_gather(b)

            @pl.when(h >= 2)
            def _():
                wait_writeback(h, b)

            gb = g_v.at[b]
            gtb = gt_v.at[b]

            @plsc.parallel_loop(0, _BSLICE, unroll=16)
            def _s1(j):
                plsc.store_scatter(gs_v, [d_lo + j], gb[j, pl.ds(0, 16)])
                plsc.store_scatter(gs_v, [d_hi + j], gb[j, pl.ds(16, 16)])

            @plsc.parallel_loop(0, _DIM * (_BSLICE // 16), unroll=8)
            def _s2(k):
                d = k >> 5
                j0 = (k & 31) * 16
                v = plsc.load_gather(gs_v, [d * _PITCH + j0 + lane])
                gtb[d, pl.ds(j0, 16)] = v

            pltpu.async_copy(
                gtb, out_hbm.at[h, :, pl.ds(b0, _BSLICE)], wsem.at[b]
            )

            @pl.when(h + 2 < _HIST)
            def _():
                start_gather(h + 2, b)

    for b in range(2):
        wait_writeback(_HIST - 2 + b, b)


@jax.jit
def _gather(weight, idx_t):
    mesh = plsc.VectorSubcoreMesh(core_axis_name="c", subcore_axis_name="s")
    return pl.kernel(
        _gather_kernel,
        mesh=mesh,
        out_type=jax.ShapeDtypeStruct((_HIST, _DIM, _BATCH), jnp.float32),
        scratch_types=[
            pltpu.VMEM((2, _BSLICE), jnp.int32),
            pltpu.VMEM((2, _BSLICE, _DIM), jnp.float32),
            pltpu.VMEM((_DIM * _PITCH,), jnp.float32),
            pltpu.VMEM((2, _DIM, _BSLICE), jnp.float32),
            pltpu.SemaphoreType.DMA((2,)),
            pltpu.SemaphoreType.DMA((2,)),
        ],
        compiler_params=pltpu.CompilerParams(
            use_tc_tiling_on_sc=False, needs_layout_passes=False
        ),
    )(weight, idx_t)


def kernel(input, weight):
    idx_t = input.T
    out_t = _gather(weight, idx_t)
    return jnp.transpose(out_t, (2, 0, 1))

# --- scband reference (transcript-rebuilt; emitter-appended) ---
"""Pipeline reference for scband-meta-embedding-18184891531621 (READ-ONLY COPY).

The authoritative reference and input builder live on the scoring server;
editing this copy changes nothing except your own understanding.
"""

import jax, jax.numpy as jnp
import numpy as np

NUM_EMBEDDINGS = 1000000
EMBEDDING_DIM = 32
BATCH = 16384
HIST = 50

def setup_inputs(seed: int = 0) -> dict:
    key = jax.random.key(seed)
    k1, k2 = jax.random.split(key)
    input_idx = jax.random.randint(k1, (BATCH, HIST), 0, NUM_EMBEDDINGS, dtype=jnp.int64 if jax.config.jax_enable_x64 else jnp.int32)
    weight = jax.random.normal(k2, (NUM_EMBEDDINGS, EMBEDDING_DIM), dtype=jnp.float32)
    return {"input": input_idx, "weight": weight}

def reference(input, weight):
    # F.embedding(input, weight, padding_idx=None) -> plain gather along axis 0
    return jnp.take(weight, input, axis=0)

if __name__ == "__main__":
    import jax
    _d = setup_inputs()
    print(jax.jit(kernel)(*tuple(_d.values())))

</pallas_src>

<mosaic_0001>
#map = affine_map<(d0, d1) -> (0, 0)>
#map1 = affine_map<(d0, d1) -> (0, 0, 0)>
module attributes {stable_mosaic.version = 14 : i64} {
  func.func @_gather_kernel(%arg0: i32, %arg1: i32, %arg2: memref<1000000x32xf32, #tpu.memory_space<hbm>>, %arg3: memref<50x16384xi32, #tpu.memory_space<hbm>>, %arg4: memref<50x32x16384xf32, #tpu.memory_space<hbm>>, %arg5: memref<2x512xi32, #tpu.memory_space<vmem>>, %arg6: memref<2x512x32xf32, #tpu.memory_space<vmem>>, %arg7: memref<16416xf32, #tpu.memory_space<vmem>>, %arg8: memref<2x32x512xf32, #tpu.memory_space<vmem>>, %arg9: memref<2x!tpu.dma_semaphore, #tpu.memory_space<semaphore_mem>>, %arg10: memref<2x!tpu.dma_semaphore, #tpu.memory_space<semaphore_mem>>) attributes {dimension_semantics = [#tpu.dimension_semantics<core_parallel>, #tpu.dimension_semantics<subcore_parallel>], iteration_bounds = array<i64: 2, 16>, scalar_prefetch = 0 : i64, scratch_operands = 6 : i64, tpu.core_type = #tpu.core_type<sc_vector_subcore>, window_params = [{transform_indices = #map}, {transform_indices = #map}, {transform_indices = #map1}]} {
    %mul3A = arith.constant 2 : i32
    %mul3A_0 = arith.muli %arg1, %mul3A : i32
    %add3A = arith.addi %mul3A_0, %arg0 : i32
    %mul3A_1 = arith.constant 512 : i32
    %mul3A_2 = arith.muli %add3A, %mul3A_1 : i32
    %iota3A = tpu.iota {dimensions = array<i32: 0>} : vector<16xi32>
    %mul3A_3 = arith.constant 513 : i32
    %mul3A_4 = vector.broadcast %mul3A_3 : i32 to vector<16xi32>
    %mul3A_5 = arith.muli %iota3A, %mul3A_4 : vector<16xi32>
    %add3A_6 = arith.constant 8208 : i32
    %add3A_7 = vector.broadcast %add3A_6 : i32 to vector<16xi32>
    %add3A_8 = arith.addi %mul3A_5, %add3A_7 : vector<16xi32>
    %run_scoped3A = arith.constant 0 : i32
    %run_scoped3A_9 = arith.constant 0 : i32
    "tpu.region"() ({
      %run_scoped3A_82 = tpu.sem_alloc : memref<!tpu.dma_semaphore, #tpu.memory_space<semaphore_mem>>
      %dma_start3A_83 = arith.constant 0 : i32
      %dma_start3A_84 = tpu.memref_slice %arg5[%run_scoped3A_9, %dma_start3A_83] : memref<2x512xi32, #tpu.memory_space<vmem>> -> memref<1x512xi32, #tpu.memory_space<vmem>>
      %dma_start3A_85 = tpu.memref_squeeze %dma_start3A_84 : memref<1x512xi32, #tpu.memory_space<vmem>> -> memref<512xi32, #tpu.memory_space<vmem>>
      %dma_start3A_86 = tpu.memref_slice %arg3[%run_scoped3A, %mul3A_2] : memref<50x16384xi32, #tpu.memory_space<hbm>> -> memref<1x512xi32, #tpu.memory_space<hbm>>
      %dma_start3A_87 = tpu.memref_squeeze %dma_start3A_86 : memref<1x512xi32, #tpu.memory_space<hbm>> -> memref<512xi32, #tpu.memory_space<hbm>>
      %dma_start3A_88 = arith.constant 0 : i32
      %dma_start3A_89 = tpu.memref_slice %arg5[%run_scoped3A_9, %dma_start3A_88] : memref<2x512xi32, #tpu.memory_space<vmem>> -> memref<1x512xi32, #tpu.memory_space<vmem>>
      %dma_start3A_90 = tpu.memref_squeeze %dma_start3A_89 : memref<1x512xi32, #tpu.memory_space<vmem>> -> memref<512xi32, #tpu.memory_space<vmem>>
      %dma_start3A_91 = tpu.memref_slice %arg3[%run_scoped3A, %mul3A_2] : memref<50x16384xi32, #tpu.memory_space<hbm>> -> memref<1x512xi32, #tpu.memory_space<hbm>>
      %dma_start3A_92 = tpu.memref_squeeze %dma_start3A_91 : memref<1x512xi32, #tpu.memory_space<hbm>> -> memref<512xi32, #tpu.memory_space<hbm>>
      tpu.enqueue_dma source(%dma_start3A_92 : memref<512xi32, #tpu.memory_space<hbm>>) target(%dma_start3A_90 : memref<512xi32, #tpu.memory_space<vmem>>) target_semaphore(%run_scoped3A_82 : memref<!tpu.dma_semaphore, #tpu.memory_space<semaphore_mem>>)
      %dma_wait3A_93 = arith.constant 0 : i32
      %dma_wait3A_94 = tpu.memref_slice %arg5[%run_scoped3A_9, %dma_wait3A_93] : memref<2x512xi32, #tpu.memory_space<vmem>> -> memref<1x512xi32, #tpu.memory_space<vmem>>
      %dma_wait3A_95 = tpu.memref_squeeze %dma_wait3A_94 : memref<1x512xi32, #tpu.memory_space<vmem>> -> memref<512xi32, #tpu.memory_space<vmem>>
      %dma_wait3A_96 = tpu.memref_slice %arg3[%run_scoped3A, %mul3A_2] : memref<50x16384xi32, #tpu.memory_space<hbm>> -> memref<1x512xi32, #tpu.memory_space<hbm>>
      %dma_wait3A_97 = tpu.memref_squeeze %dma_wait3A_96 : memref<1x512xi32, #tpu.memory_space<hbm>> -> memref<512xi32, #tpu.memory_space<hbm>>
      %dma_wait3A_98 = arith.constant 0 : i32
      %dma_wait3A_99 = tpu.memref_slice %arg5[%run_scoped3A_9, %dma_wait3A_98] : memref<2x512xi32, #tpu.memory_space<vmem>> -> memref<1x512xi32, #tpu.memory_space<vmem>>
      %dma_wait3A_100 = tpu.memref_squeeze %dma_wait3A_99 : memref<1x512xi32, #tpu.memory_space<vmem>> -> memref<512xi32, #tpu.memory_space<vmem>>
      %dma_wait3A_101 = tpu.memref_slice %arg3[%run_scoped3A, %mul3A_2] : memref<50x16384xi32, #tpu.memory_space<hbm>> -> memref<1x512xi32, #tpu.memory_space<hbm>>
      %dma_wait3A_102 = tpu.memref_squeeze %dma_wait3A_101 : memref<1x512xi32, #tpu.memory_space<hbm>> -> memref<512xi32, #tpu.memory_space<hbm>>
      tpu.wait_dma2 semaphore(%run_scoped3A_82 : memref<!tpu.dma_semaphore, #tpu.memory_space<semaphore_mem>>) src(%dma_wait3A_102 : memref<512xi32, #tpu.memory_space<hbm>>) dst(%dma_wait3A_100 : memref<512xi32, #tpu.memory_space<vmem>>)
      tpu.yield
    }) : () -> ()
    %dma_start3A = arith.constant 0 : i32
    %dma_start3A_10 = arith.constant 0 : i32
    %dma_start3A_11 = arith.constant 0 : i32
    %dma_start3A_12 = arith.constant 0 : i32
    %dma_start3A_13 = arith.constant 0 : i32
    %dma_start3A_14 = tpu.memref_slice %arg6[%dma_start3A_10, %dma_start3A_12, %dma_start3A_13] : memref<2x512x32xf32, #tpu.memory_space<vmem>> -> memref<1x512x32xf32, #tpu.memory_space<vmem>>
    %dma_start3A_15 = tpu.memref_squeeze %dma_start3A_14 : memref<1x512x32xf32, #tpu.memory_space<vmem>> -> memref<512x32xf32, #tpu.memory_space<vmem>>
    %dma_start3A_16 = arith.constant 0 : i32
    %dma_start3A_17 = tpu.memref_slice %arg5[%dma_start3A, %dma_start3A_16] : memref<2x512xi32, #tpu.memory_space<vmem>> -> memref<1x512xi32, #tpu.memory_space<vmem>>
    %dma_start3A_18 = tpu.memref_squeeze %dma_start3A_17 : memref<1x512xi32, #tpu.memory_space<vmem>> -> memref<512xi32, #tpu.memory_space<vmem>>
    %dma_start3A_19 = arith.constant 0 : i32
    %dma_start3A_20 = arith.constant 0 : i32
    %dma_start3A_21 = tpu.memref_slice %arg2[%dma_start3A_19, %dma_start3A_20] : memref<1000000x32xf32, #tpu.memory_space<hbm>> -> memref<1000000x32xf32, #tpu.memory_space<hbm>>
    %dma_start3A_22 = tpu.memref_slice %arg9[%dma_start3A_11] : memref<2x!tpu.dma_semaphore, #tpu.memory_space<semaphore_mem>> -> memref<1x!tpu.dma_semaphore, #tpu.memory_space<semaphore_mem>>
    %dma_start3A_23 = tpu.memref_squeeze %dma_start3A_22 : memref<1x!tpu.dma_semaphore, #tpu.memory_space<semaphore_mem>> -> memref<!tpu.dma_semaphore, #tpu.memory_space<semaphore_mem>>
    tpu.enqueue_indirect_dma source(%dma_start3A_21 : memref<1000000x32xf32, #tpu.memory_space<hbm>>) target(%dma_start3A_15 : memref<512x32xf32, #tpu.memory_space<vmem>>) offsets(%dma_start3A_18 : memref<512xi32, #tpu.memory_space<vmem>>) semaphore(%dma_start3A_23 : memref<!tpu.dma_semaphore, #tpu.memory_space<semaphore_mem>>)
    %run_scoped3A_24 = arith.constant 1 : i32
    %run_scoped3A_25 = arith.constant 1 : i32
    "tpu.region"() ({
      %run_scoped3A_82 = tpu.sem_alloc : memref<!tpu.dma_semaphore, #tpu.memory_space<semaphore_mem>>
      %dma_start3A_83 = arith.constant 0 : i32
      %dma_start3A_84 = tpu.memref_slice %arg5[%run_scoped3A_25, %dma_start3A_83] : memref<2x512xi32, #tpu.memory_space<vmem>> -> memref<1x512xi32, #tpu.memory_space<vmem>>
      %dma_start3A_85 = tpu.memref_squeeze %dma_start3A_84 : memref<1x512xi32, #tpu.memory_space<vmem>> -> memref<512xi32, #tpu.memory_space<vmem>>
      %dma_start3A_86 = tpu.memref_slice %arg3[%run_scoped3A_24, %mul3A_2] : memref<50x16384xi32, #tpu.memory_space<hbm>> -> memref<1x512xi32, #tpu.memory_space<hbm>>
      %dma_start3A_87 = tpu.memref_squeeze %dma_start3A_86 : memref<1x512xi32, #tpu.memory_space<hbm>> -> memref<512xi32, #tpu.memory_space<hbm>>
      %dma_start3A_88 = arith.constant 0 : i32
      %dma_start3A_89 = tpu.memref_slice %arg5[%run_scoped3A_25, %dma_start3A_88] : memref<2x512xi32, #tpu.memory_space<vmem>> -> memref<1x512xi32, #tpu.memory_space<vmem>>
      %dma_start3A_90 = tpu.memref_squeeze %dma_start3A_89 : memref<1x512xi32, #tpu.memory_space<vmem>> -> memref<512xi32, #tpu.memory_space<vmem>>
      %dma_start3A_91 = tpu.memref_slice %arg3[%run_scoped3A_24, %mul3A_2] : memref<50x16384xi32, #tpu.memory_space<hbm>> -> memref<1x512xi32, #tpu.memory_space<hbm>>
      %dma_start3A_92 = tpu.memref_squeeze %dma_start3A_91 : memref<1x512xi32, #tpu.memory_space<hbm>> -> memref<512xi32, #tpu.memory_space<hbm>>
      tpu.enqueue_dma source(%dma_start3A_92 : memref<512xi32, #tpu.memory_space<hbm>>) target(%dma_start3A_90 : memref<512xi32, #tpu.memory_space<vmem>>) target_semaphore(%run_scoped3A_82 : memref<!tpu.dma_semaphore, #tpu.memory_space<semaphore_mem>>)
      %dma_wait3A_93 = arith.constant 0 : i32
      %dma_wait3A_94 = tpu.memref_slice %arg5[%run_scoped3A_25, %dma_wait3A_93] : memref<2x512xi32, #tpu.memory_space<vmem>> -> memref<1x512xi32, #tpu.memory_space<vmem>>
      %dma_wait3A_95 = tpu.memref_squeeze %dma_wait3A_94 : memref<1x512xi32, #tpu.memory_space<vmem>> -> memref<512xi32, #tpu.memory_space<vmem>>
      %dma_wait3A_96 = tpu.memref_slice %arg3[%run_scoped3A_24, %mul3A_2] : memref<50x16384xi32, #tpu.memory_space<hbm>> -> memref<1x512xi32, #tpu.memory_space<hbm>>
      %dma_wait3A_97 = tpu.memref_squeeze %dma_wait3A_96 : memref<1x512xi32, #tpu.memory_space<hbm>> -> memref<512xi32, #tpu.memory_space<hbm>>
      %dma_wait3A_98 = arith.constant 0 : i32
      %dma_wait3A_99 = tpu.memref_slice %arg5[%run_scoped3A_25, %dma_wait3A_98] : memref<2x512xi32, #tpu.memory_space<vmem>> -> memref<1x512xi32, #tpu.memory_space<vmem>>
      %dma_wait3A_100 = tpu.memref_squeeze %dma_wait3A_99 : memref<1x512xi32, #tpu.memory_space<vmem>> -> memref<512xi32, #tpu.memory_space<vmem>>
      %dma_wait3A_101 = tpu.memref_slice %arg3[%run_scoped3A_24, %mul3A_2] : memref<50x16384xi32, #tpu.memory_space<hbm>> -> memref<1x512xi32, #tpu.memory_space<hbm>>
      %dma_wait3A_102 = tpu.memref_squeeze %dma_wait3A_101 : memref<1x512xi32, #tpu.memory_space<hbm>> -> memref<512xi32, #tpu.memory_space<hbm>>
      tpu.wait_dma2 semaphore(%run_scoped3A_82 : memref<!tpu.dma_semaphore, #tpu.memory_space<semaphore_mem>>) src(%dma_wait3A_102 : memref<512xi32, #tpu.memory_space<hbm>>) dst(%dma_wait3A_100 : memref<512xi32, #tpu.memory_space<vmem>>)
      tpu.yield
    }) : () -> ()
    %dma_start3A_26 = arith.constant 1 : i32
    %dma_start3A_27 = arith.constant 1 : i32
    %dma_start3A_28 = arith.constant 1 : i32
    %dma_start3A_29 = arith.constant 0 : i32
    %dma_start3A_30 = arith.constant 0 : i32
    %dma_start3A_31 = tpu.memref_slice %arg6[%dma_start3A_27, %dma_start3A_29, %dma_start3A_30] : memref<2x512x32xf32, #tpu.memory_space<vmem>> -> memref<1x512x32xf32, #tpu.memory_space<vmem>>
    %dma_start3A_32 = tpu.memref_squeeze %dma_start3A_31 : memref<1x512x32xf32, #tpu.memory_space<vmem>> -> memref<512x32xf32, #tpu.memory_space<vmem>>
    %dma_start3A_33 = arith.constant 0 : i32
    %dma_start3A_34 = tpu.memref_slice %arg5[%dma_start3A_26, %dma_start3A_33] : memref<2x512xi32, #tpu.memory_space<vmem>> -> memref<1x512xi32, #tpu.memory_space<vmem>>
    %dma_start3A_35 = tpu.memref_squeeze %dma_start3A_34 : memref<1x512xi32, #tpu.memory_space<vmem>> -> memref<512xi32, #tpu.memory_space<vmem>>
    %dma_start3A_36 = arith.constant 0 : i32
    %dma_start3A_37 = arith.constant 0 : i32
    %dma_start3A_38 = tpu.memref_slice %arg2[%dma_start3A_36, %dma_start3A_37] : memref<1000000x32xf32, #tpu.memory_space<hbm>> -> memref<1000000x32xf32, #tpu.memory_space<hbm>>
    %dma_start3A_39 = tpu.memref_slice %arg9[%dma_start3A_28] : memref<2x!tpu.dma_semaphore, #tpu.memory_space<semaphore_mem>> -> memref<1x!tpu.dma_semaphore, #tpu.memory_space<semaphore_mem>>
    %dma_start3A_40 = tpu.memref_squeeze %dma_start3A_39 : memref<1x!tpu.dma_semaphore, #tpu.memory_space<semaphore_mem>> -> memref<!tpu.dma_semaphore, #tpu.memory_space<semaphore_mem>>
    tpu.enqueue_indirect_dma source(%dma_start3A_38 : memref<1000000x32xf32, #tpu.memory_space<hbm>>) target(%dma_start3A_32 : memref<512x32xf32, #tpu.memory_space<vmem>>) offsets(%dma_start3A_35 : memref<512xi32, #tpu.memory_space<vmem>>) semaphore(%dma_start3A_40 : memref<!tpu.dma_semaphore, #tpu.memory_space<semaphore_mem>>)
    %scan3A = arith.constant 0 : i32
    %scan3A_41 = arith.constant 25 : i32
    %scan3A_42 = arith.addi %scan3A, %scan3A_41 : i32
    %scan3A_43 = arith.constant 1 : i32
    scf.for %scan3A_82 = %scan3A to %scan3A_42 step %scan3A_43  : i32 {
      %mul3A_83 = arith.constant 2 : i32
      %mul3A_84 = arith.muli %scan3A_82, %mul3A_83 : i32
      %add3A_85 = arith.constant 0 : i32
      %add3A_86 = arith.addi %add3A_85, %mul3A_84 : i32
      %add3A_87 = arith.constant 0 : i32
      %add3A_88 = arith.addi %add3A_86, %add3A_87 : i32
      %dma_wait3A_89 = arith.constant 0 : i32
      %dma_wait3A_90 = arith.constant 0 : i32
      %dma_wait3A_91 = arith.constant 0 : i32
      %dma_wait3A_92 = arith.constant 0 : i32
      %dma_wait3A_93 = arith.constant 0 : i32
      %dma_wait3A_94 = tpu.memref_slice %arg6[%dma_wait3A_90, %dma_wait3A_92, %dma_wait3A_93] : memref<2x512x32xf32, #tpu.memory_space<vmem>> -> memref<1x512x32xf32, #tpu.memory_space<vmem>>
      %dma_wait3A_95 = tpu.memref_squeeze %dma_wait3A_94 : memref<1x512x32xf32, #tpu.memory_space<vmem>> -> memref<512x32xf32, #tpu.memory_space<vmem>>
      %dma_wait3A_96 = arith.constant 0 : i32
      %dma_wait3A_97 = tpu.memref_slice %arg5[%dma_wait3A_89, %dma_wait3A_96] : memref<2x512xi32, #tpu.memory_space<vmem>> -> memref<1x512xi32, #tpu.memory_space<vmem>>
      %dma_wait3A_98 = tpu.memref_squeeze %dma_wait3A_97 : memref<1x512xi32, #tpu.memory_space<vmem>> -> memref<512xi32, #tpu.memory_space<vmem>>
      %dma_wait3A_99 = arith.constant 0 : i32
      %dma_wait3A_100 = arith.constant 0 : i32
      %dma_wait3A_101 = tpu.memref_slice %arg2[%dma_wait3A_99, %dma_wait3A_100] : memref<1000000x32xf32, #tpu.memory_space<hbm>> -> memref<1000000x32xf32, #tpu.memory_space<hbm>>
      %dma_wait3A_102 = tpu.memref_slice %arg9[%dma_wait3A_91] : memref<2x!tpu.dma_semaphore, #tpu.memory_space<semaphore_mem>> -> memref<1x!tpu.dma_semaphore, #tpu.memory_space<semaphore_mem>>
      %dma_wait3A_103 = tpu.memref_squeeze %dma_wait3A_102 : memref<1x!tpu.dma_semaphore, #tpu.memory_space<semaphore_mem>> -> memref<!tpu.dma_semaphore, #tpu.memory_space<semaphore_mem>>
      tpu.wait_indirect_dma semaphore(%dma_wait3A_103 : memref<!tpu.dma_semaphore, #tpu.memory_space<semaphore_mem>>) src(%dma_wait3A_101 : memref<1000000x32xf32, #tpu.memory_space<hbm>>) dst(%dma_wait3A_95 : memref<512x32xf32, #tpu.memory_space<vmem>>)
      %ge3A = arith.constant 2 : i32
      %ge3A_104 = arith.cmpi sge, %add3A_88, %ge3A : i32
      %convert_element_type3A = arith.extui %ge3A_104 : i1 to i32
      %cond3A = arith.constant 0 : i32
      %cond3A_105 = arith.cmpi ne, %convert_element_type3A, %cond3A : i32
      scf.if %cond3A_105 {
        %dma_wait3A_192 = arith.constant 0 : i32
        %dma_wait3A_193 = arith.constant 0 : i32
        %dma_wait3A_194 = arith.constant 0 : i32
        %dma_wait3A_195 = arith.constant 0 : i32
        %dma_wait3A_196 = tpu.memref_slice %arg8[%dma_wait3A_192, %dma_wait3A_194, %dma_wait3A_195] : memref<2x32x512xf32, #tpu.memory_space<vmem>> -> memref<1x32x512xf32, #tpu.memory_space<vmem>>
        %dma_wait3A_197 = tpu.memref_squeeze %dma_wait3A_196 : memref<1x32x512xf32, #tpu.memory_space<vmem>> -> memref<32x512xf32, #tpu.memory_space<vmem>>
        %dma_wait3A_198 = arith.constant 0 : i32
        %dma_wait3A_199 = tpu.memref_slice %arg4[%add3A_88, %dma_wait3A_198, %mul3A_2] : memref<50x32x16384xf32, #tpu.memory_space<hbm>> -> memref<1x32x512xf32, #tpu.memory_space<hbm>>
        %dma_wait3A_200 = tpu.memref_squeeze %dma_wait3A_199 : memref<1x32x512xf32, #tpu.memory_space<hbm>> -> memref<32x512xf32, #tpu.memory_space<hbm>>
        %dma_wait3A_201 = tpu.memref_slice %arg10[%dma_wait3A_193] : memref<2x!tpu.dma_semaphore, #tpu.memory_space<semaphore_mem>> -> memref<1x!tpu.dma_semaphore, #tpu.memory_space<semaphore_mem>>
        %dma_wait3A_202 = tpu.memref_squeeze %dma_wait3A_201 : memref<1x!tpu.dma_semaphore, #tpu.memory_space<semaphore_mem>> -> memref<!tpu.dma_semaphore, #tpu.memory_space<semaphore_mem>>
        %dma_wait3A_203 = arith.constant 0 : i32
        %dma_wait3A_204 = tpu.memref_slice %arg4[%add3A_88, %dma_wait3A_203, %mul3A_2] : memref<50x32x16384xf32, #tpu.memory_space<hbm>> -> memref<1x32x512xf32, #tpu.memory_space<hbm>>
        %dma_wait3A_205 = tpu.memref_squeeze %dma_wait3A_204 : memref<1x32x512xf32, #tpu.memory_space<hbm>> -> memref<32x512xf32, #tpu.memory_space<hbm>>
        %dma_wait3A_206 = arith.constant 0 : i32
        %dma_wait3A_207 = arith.constant 0 : i32
        %dma_wait3A_208 = tpu.memref_slice %arg8[%dma_wait3A_192, %dma_wait3A_206, %dma_wait3A_207] : memref<2x32x512xf32, #tpu.memory_space<vmem>> -> memref<1x32x512xf32, #tpu.memory_space<vmem>>
        %dma_wait3A_209 = tpu.memref_squeeze %dma_wait3A_208 : memref<1x32x512xf32, #tpu.memory_space<vmem>> -> memref<32x512xf32, #tpu.memory_space<vmem>>
        tpu.wait_dma2 semaphore(%dma_wait3A_202 : memref<!tpu.dma_semaphore, #tpu.memory_space<semaphore_mem>>) src(%dma_wait3A_209 : memref<32x512xf32, #tpu.memory_space<vmem>>) dst(%dma_wait3A_205 : memref<32x512xf32, #tpu.memory_space<hbm>>)
      } else {
      }
      %parallel_loop3A = arith.constant 0 : i32
      %parallel_loop3A_106 = arith.constant 512 : i32
      %parallel_loop3A_107 = arith.constant 1 : i32
      %parallel_loop3A_108 = arith.constant 0 : i32
      scf.for %parallel_loop3A_192 = %parallel_loop3A to %parallel_loop3A_106 step %parallel_loop3A_107  : i32 {
        %parallel_loop3A_193 = vector.broadcast %parallel_loop3A_192 : i32 to vector<16xi32>
        %parallel_loop3A_194 = arith.addi %mul3A_5, %parallel_loop3A_193 : vector<16xi32>
        %parallel_loop3A_195 = arith.constant 0 : i32
        %parallel_loop3A_196 = arith.constant 0 : i32
        %parallel_loop3A_197 = tpu.memref_slice %arg6[%parallel_loop3A_108, %parallel_loop3A_195, %parallel_loop3A_196] : memref<2x512x32xf32, #tpu.memory_space<vmem>> -> memref<1x512x32xf32, #tpu.memory_space<vmem>>
        %parallel_loop3A_198 = tpu.memref_squeeze %parallel_loop3A_197 : memref<1x512x32xf32, #tpu.memory_space<vmem>> -> memref<512x32xf32, #tpu.memory_space<vmem>>
        %parallel_loop3A_199 = arith.index_cast %parallel_loop3A_192 : i32 to index
        %parallel_loop3A_200 = arith.constant 0 : index
        %parallel_loop3A_201 = tpu.vector_load %parallel_loop3A_198[%parallel_loop3A_199, %parallel_loop3A_200] {strides = array<i32>} : memref<512x32xf32, #tpu.memory_space<vmem>>, vector<16xf32>,
        tpu.vector_store_idx %arg7[%parallel_loop3A_194], %parallel_loop3A_201 : memref<16416xf32, #tpu.memory_space<vmem>>[vector<16xi32>], vector<16xf32>,
        %parallel_loop3A_202 = vector.broadcast %parallel_loop3A_192 : i32 to vector<16xi32>
        %parallel_loop3A_203 = arith.addi %add3A_8, %parallel_loop3A_202 : vector<16xi32>
        %parallel_loop3A_204 = arith.constant 0 : i32
        %parallel_loop3A_205 = arith.constant 0 : i32
        %parallel_loop3A_206 = tpu.memref_slice %arg6[%parallel_loop3A_108, %parallel_loop3A_204, %parallel_loop3A_205] : memref<2x512x32xf32, #tpu.memory_space<vmem>> -> memref<1x512x32xf32, #tpu.memory_space<vmem>>
        %parallel_loop3A_207 = tpu.memref_squeeze %parallel_loop3A_206 : memref<1x512x32xf32, #tpu.memory_space<vmem>> -> memref<512x32xf32, #tpu.memory_space<vmem>>
        %parallel_loop3A_208 = arith.index_cast %parallel_loop3A_192 : i32 to index
        %parallel_loop3A_209 = arith.constant 16 : index
        %parallel_loop3A_210 = tpu.vector_load %parallel_loop3A_207[%parallel_loop3A_208, %parallel_loop3A_209] {strides = array<i32>} : memref<512x32xf32, #tpu.memory_space<vmem>>, vector<16xf32>,
        tpu.vector_store_idx %arg7[%parallel_loop3A_203], %parallel_loop3A_210 : memref<16416xf32, #tpu.memory_space<vmem>>[vector<16xi32>], vector<16xf32>,
      } {sc.loop_unroll_factor = 16 : i64, sc.parallel_access}
      %parallel_loop3A_109 = arith.constant 0 : i32
      %parallel_loop3A_110 = arith.constant 1024 : i32
      %parallel_loop3A_111 = arith.constant 1 : i32
      %parallel_loop3A_112 = arith.constant 0 : i32
      scf.for %parallel_loop3A_192 = %parallel_loop3A_109 to %parallel_loop3A_110 step %parallel_loop3A_111  : i32 {
        %parallel_loop3A_193 = arith.constant 5 : i32
        %parallel_loop3A_194 = arith.shrsi %parallel_loop3A_192, %parallel_loop3A_193 : i32
        %parallel_loop3A_195 = arith.constant 31 : i32
        %parallel_loop3A_196 = arith.andi %parallel_loop3A_192, %parallel_loop3A_195 : i32
        %parallel_loop3A_197 = arith.constant 16 : i32
        %parallel_loop3A_198 = arith.muli %parallel_loop3A_196, %parallel_loop3A_197 : i32
        %parallel_loop3A_199 = arith.constant 513 : i32
        %parallel_loop3A_200 = arith.muli %parallel_loop3A_194, %parallel_loop3A_199 : i32
        %parallel_loop3A_201 = arith.addi %parallel_loop3A_200, %parallel_loop3A_198 : i32
        %parallel_loop3A_202 = vector.broadcast %parallel_loop3A_201 : i32 to vector<16xi32>
        %parallel_loop3A_203 = arith.addi %parallel_loop3A_202, %iota3A : vector<16xi32>
        %parallel_loop3A_204 = tpu.vector_load_idx %arg7[%parallel_loop3A_203] : memref<16416xf32, #tpu.memory_space<vmem>>[vector<16xi32>], vector<16xf32>,
        %parallel_loop3A_205 = arith.constant 0 : i32
        %parallel_loop3A_206 = arith.constant 0 : i32
        %parallel_loop3A_207 = tpu.memref_slice %arg8[%parallel_loop3A_112, %parallel_loop3A_205, %parallel_loop3A_206] : memref<2x32x512xf32, #tpu.memory_space<vmem>> -> memref<1x32x512xf32, #tpu.memory_space<vmem>>
        %parallel_loop3A_208 = tpu.memref_squeeze %parallel_loop3A_207 : memref<1x32x512xf32, #tpu.memory_space<vmem>> -> memref<32x512xf32, #tpu.memory_space<vmem>>
        %parallel_loop3A_209 = arith.index_cast %parallel_loop3A_194 : i32 to index
        %parallel_loop3A_210 = arith.index_cast %parallel_loop3A_198 : i32 to index
        %parallel_loop3A_211 = tpu.vector_load %parallel_loop3A_208[%parallel_loop3A_209, %parallel_loop3A_210] {strides = array<i32>} : memref<32x512xf32, #tpu.memory_space<vmem>>, vector<16xf32>,
        tpu.vector_store %parallel_loop3A_208[%parallel_loop3A_209, %parallel_loop3A_210], %parallel_loop3A_204 {strides = array<i32>} : memref<32x512xf32, #tpu.memory_space<vmem>>, vector<16xf32>,
      } {sc.loop_unroll_factor = 8 : i64, sc.parallel_access}
      %dma_start3A_113 = arith.constant 0 : i32
      %dma_start3A_114 = arith.constant 0 : i32
      %dma_start3A_115 = arith.constant 0 : i32
      %dma_start3A_116 = arith.constant 0 : i32
      %dma_start3A_117 = tpu.memref_slice %arg8[%dma_start3A_113, %dma_start3A_115, %dma_start3A_116] : memref<2x32x512xf32, #tpu.memory_space<vmem>> -> memref<1x32x512xf32, #tpu.memory_space<vmem>>
      %dma_start3A_118 = tpu.memref_squeeze %dma_start3A_117 : memref<1x32x512xf32, #tpu.memory_space<vmem>> -> memref<32x512xf32, #tpu.memory_space<vmem>>
      %dma_start3A_119 = arith.constant 0 : i32
      %dma_start3A_120 = tpu.memref_slice %arg4[%add3A_88, %dma_start3A_119, %mul3A_2] : memref<50x32x16384xf32, #tpu.memory_space<hbm>> -> memref<1x32x512xf32, #tpu.memory_space<hbm>>
      %dma_start3A_121 = tpu.memref_squeeze %dma_start3A_120 : memref<1x32x512xf32, #tpu.memory_space<hbm>> -> memref<32x512xf32, #tpu.memory_space<hbm>>
      %dma_start3A_122 = tpu.memref_slice %arg10[%dma_start3A_114] : memref<2x!tpu.dma_semaphore, #tpu.memory_space<semaphore_mem>> -> memref<1x!tpu.dma_semaphore, #tpu.memory_space<semaphore_mem>>
      %dma_start3A_123 = tpu.memref_squeeze %dma_start3A_122 : memref<1x!tpu.dma_semaphore, #tpu.memory_space<semaphore_mem>> -> memref<!tpu.dma_semaphore, #tpu.memory_space<semaphore_mem>>
      %dma_start3A_124 = arith.constant 0 : i32
      %dma_start3A_125 = tpu.memref_slice %arg4[%add3A_88, %dma_start3A_124, %mul3A_2] : memref<50x32x16384xf32, #tpu.memory_space<hbm>> -> memref<1x32x512xf32, #tpu.memory_space<hbm>>
      %dma_start3A_126 = tpu.memref_squeeze %dma_start3A_125 : memref<1x32x512xf32, #tpu.memory_space<hbm>> -> memref<32x512xf32, #tpu.memory_space<hbm>>
      %dma_start3A_127 = arith.constant 0 : i32
      %dma_start3A_128 = arith.constant 0 : i32
      %dma_start3A_129 = tpu.memref_slice %arg8[%dma_start3A_113, %dma_start3A_127, %dma_start3A_128] : memref<2x32x512xf32, #tpu.memory_space<vmem>> -> memref<1x32x512xf32, #tpu.memory_space<vmem>>
      %dma_start3A_130 = tpu.memref_squeeze %dma_start3A_129 : memref<1x32x512xf32, #tpu.memory_space<vmem>> -> memref<32x512xf32, #tpu.memory_space<vmem>>
      tpu.enqueue_dma source(%dma_start3A_130 : memref<32x512xf32, #tpu.memory_space<vmem>>) target(%dma_start3A_126 : memref<32x512xf32, #tpu.memory_space<hbm>>) target_semaphore(%dma_start3A_123 : memref<!tpu.dma_semaphore, #tpu.memory_space<semaphore_mem>>)
      %add3A_131 = arith.constant 2 : i32
      %add3A_132 = arith.addi %add3A_88, %add3A_131 : i32
      %lt3A = arith.constant 50 : i32
      %lt3A_133 = arith.cmpi slt, %add3A_132, %lt3A : i32
      %convert_element_type3A_134 = arith.extui %lt3A_133 : i1 to i32
      %cond3A_135 = arith.constant 0 : i32
      %cond3A_136 = arith.cmpi ne, %convert_element_type3A_134, %cond3A_135 : i32
      scf.if %cond3A_136 {
        %add3A_192 = arith.constant 2 : i32
        %add3A_193 = arith.addi %add3A_88, %add3A_192 : i32
        %run_scoped3A_194 = arith.constant 0 : i32
        "tpu.region"() ({
          %run_scoped3A_210 = tpu.sem_alloc : memref<!tpu.dma_semaphore, #tpu.memory_space<semaphore_mem>>
          %dma_start3A_211 = arith.constant 0 : i32
          %dma_start3A_212 = tpu.memref_slice %arg5[%run_scoped3A_194, %dma_start3A_211] : memref<2x512xi32, #tpu.memory_space<vmem>> -> memref<1x512xi32, #tpu.memory_space<vmem>>
          %dma_start3A_213 = tpu.memref_squeeze %dma_start3A_212 : memref<1x512xi32, #tpu.memory_space<vmem>> -> memref<512xi32, #tpu.memory_space<vmem>>
          %dma_start3A_214 = tpu.memref_slice %arg3[%add3A_193, %mul3A_2] : memref<50x16384xi32, #tpu.memory_space<hbm>> -> memref<1x512xi32, #tpu.memory_space<hbm>>
          %dma_start3A_215 = tpu.memref_squeeze %dma_start3A_214 : memref<1x512xi32, #tpu.memory_space<hbm>> -> memref<512xi32, #tpu.memory_space<hbm>>
          %dma_start3A_216 = arith.constant 0 : i32
          %dma_start3A_217 = tpu.memref_slice %arg5[%run_scoped3A_194, %dma_start3A_216] : memref<2x512xi32, #tpu.memory_space<vmem>> -> memref<1x512xi32, #tpu.memory_space<vmem>>
          %dma_start3A_218 = tpu.memref_squeeze %dma_start3A_217 : memref<1x512xi32, #tpu.memory_space<vmem>> -> memref<512xi32, #tpu.memory_space<vmem>>
          %dma_start3A_219 = tpu.memref_slice %arg3[%add3A_193, %mul3A_2] : memref<50x16384xi32, #tpu.memory_space<hbm>> -> memref<1x512xi32, #tpu.memory_space<hbm>>
          %dma_start3A_220 = tpu.memref_squeeze %dma_start3A_219 : memref<1x512xi32, #tpu.memory_space<hbm>> -> memref<512xi32, #tpu.memory_space<hbm>>
          tpu.enqueue_dma source(%dma_start3A_220 : memref<512xi32, #tpu.memory_space<hbm>>) target(%dma_start3A_218 : memref<512xi32, #tpu.memory_space<vmem>>) target_semaphore(%run_scoped3A_210 : memref<!tpu.dma_semaphore, #tpu.memory_space<semaphore_mem>>)
          %dma_wait3A_221 = arith.constant 0 : i32
          %dma_wait3A_222 = tpu.memref_slice %arg5[%run_scoped3A_194, %dma_wait3A_221] : memref<2x512xi32, #tpu.memory_space<vmem>> -> memref<1x512xi32, #tpu.memory_space<vmem>>
          %dma_wait3A_223 = tpu.memref_squeeze %dma_wait3A_222 : memref<1x512xi32, #tpu.memory_space<vmem>> -> memref<512xi32, #tpu.memory_space<vmem>>
          %dma_wait3A_224 = tpu.memref_slice %arg3[%add3A_193, %mul3A_2] : memref<50x16384xi32, #tpu.memory_space<hbm>> -> memref<1x512xi32, #tpu.memory_space<hbm>>
          %dma_wait3A_225 = tpu.memref_squeeze %dma_wait3A_224 : memref<1x512xi32, #tpu.memory_space<hbm>> -> memref<512xi32, #tpu.memory_space<hbm>>
          %dma_wait3A_226 = arith.constant 0 : i32
          %dma_wait3A_227 = tpu.memref_slice %arg5[%run_scoped3A_194, %dma_wait3A_226] : memref<2x512xi32, #tpu.memory_space<vmem>> -> memref<1x512xi32, #tpu.memory_space<vmem>>
          %dma_wait3A_228 = tpu.memref_squeeze %dma_wait3A_227 : memref<1x512xi32, #tpu.memory_space<vmem>> -> memref<512xi32, #tpu.memory_space<vmem>>
          %dma_wait3A_229 = tpu.memref_slice %arg3[%add3A_193, %mul3A_2] : memref<50x16384xi32, #tpu.memory_space<hbm>> -> memref<1x512xi32, #tpu.memory_space<hbm>>
          %dma_wait3A_230 = tpu.memref_squeeze %dma_wait3A_229 : memref<1x512xi32, #tpu.memory_space<hbm>> -> memref<512xi32, #tpu.memory_space<hbm>>
          tpu.wait_dma2 semaphore(%run_scoped3A_210 : memref<!tpu.dma_semaphore, #tpu.memory_space<semaphore_mem>>) src(%dma_wait3A_230 : memref<512xi32, #tpu.memory_space<hbm>>) dst(%dma_wait3A_228 : memref<512xi32, #tpu.memory_space<vmem>>)
          tpu.yield
        }) : () -> ()
        %dma_start3A_195 = arith.constant 0 : i32
        %dma_start3A_196 = arith.constant 0 : i32
        %dma_start3A_197 = arith.constant 0 : i32
        %dma_start3A_198 = arith.constant 0 : i32
        %dma_start3A_199 = arith.constant 0 : i32
        %dma_start3A_200 = tpu.memref_slice %arg6[%dma_start3A_196, %dma_start3A_198, %dma_start3A_199] : memref<2x512x32xf32, #tpu.memory_space<vmem>> -> memref<1x512x32xf32, #tpu.memory_space<vmem>>
        %dma_start3A_201 = tpu.memref_squeeze %dma_start3A_200 : memref<1x512x32xf32, #tpu.memory_space<vmem>> -> memref<512x32xf32, #tpu.memory_space<vmem>>
        %dma_start3A_202 = arith.constant 0 : i32
        %dma_start3A_203 = tpu.memref_slice %arg5[%dma_start3A_195, %dma_start3A_202] : memref<2x512xi32, #tpu.memory_space<vmem>> -> memref<1x512xi32, #tpu.memory_space<vmem>>
        %dma_start3A_204 = tpu.memref_squeeze %dma_start3A_203 : memref<1x512xi32, #tpu.memory_space<vmem>> -> memref<512xi32, #tpu.memory_space<vmem>>
        %dma_start3A_205 = arith.constant 0 : i32
        %dma_start3A_206 = arith.constant 0 : i32
        %dma_start3A_207 = tpu.memref_slice %arg2[%dma_start3A_205, %dma_start3A_206] : memref<1000000x32xf32, #tpu.memory_space<hbm>> -> memref<1000000x32xf32, #tpu.memory_space<hbm>>
        %dma_start3A_208 = tpu.memref_slice %arg9[%dma_start3A_197] : memref<2x!tpu.dma_semaphore, #tpu.memory_space<semaphore_mem>> -> memref<1x!tpu.dma_semaphore, #tpu.memory_space<semaphore_mem>>
        %dma_start3A_209 = tpu.memref_squeeze %dma_start3A_208 : memref<1x!tpu.dma_semaphore, #tpu.memory_space<semaphore_mem>> -> memref<!tpu.dma_semaphore, #tpu.memory_space<semaphore_mem>>
        tpu.enqueue_indirect_dma source(%dma_start3A_207 : memref<1000000x32xf32, #tpu.memory_space<hbm>>) target(%dma_start3A_201 : memref<512x32xf32, #tpu.memory_space<vmem>>) offsets(%dma_start3A_204 : memref<512xi32, #tpu.memory_space<vmem>>) semaphore(%dma_start3A_209 : memref<!tpu.dma_semaphore, #tpu.memory_space<semaphore_mem>>)
      } else {
      }
      %add3A_137 = arith.constant 1 : i32
      %add3A_138 = arith.addi %add3A_86, %add3A_137 : i32
      %dma_wait3A_139 = arith.constant 1 : i32
      %dma_wait3A_140 = arith.constant 1 : i32
      %dma_wait3A_141 = arith.constant 1 : i32
      %dma_wait3A_142 = arith.constant 0 : i32
      %dma_wait3A_143 = arith.constant 0 : i32
      %dma_wait3A_144 = tpu.memref_slice %arg6[%dma_wait3A_140, %dma_wait3A_142, %dma_wait3A_143] : memref<2x512x32xf32, #tpu.memory_space<vmem>> -> memref<1x512x32xf32, #tpu.memory_space<vmem>>
      %dma_wait3A_145 = tpu.memref_squeeze %dma_wait3A_144 : memref<1x512x32xf32, #tpu.memory_space<vmem>> -> memref<512x32xf32, #tpu.memory_space<vmem>>
      %dma_wait3A_146 = arith.constant 0 : i32
      %dma_wait3A_147 = tpu.memref_slice %arg5[%dma_wait3A_139, %dma_wait3A_146] : memref<2x512xi32, #tpu.memory_space<vmem>> -> memref<1x512xi32, #tpu.memory_space<vmem>>
      %dma_wait3A_148 = tpu.memref_squeeze %dma_wait3A_147 : memref<1x512xi32, #tpu.memory_space<vmem>> -> memref<512xi32, #tpu.memory_space<vmem>>
      %dma_wait3A_149 = arith.constant 0 : i32
      %dma_wait3A_150 = arith.constant 0 : i32
      %dma_wait3A_151 = tpu.memref_slice %arg2[%dma_wait3A_149, %dma_wait3A_150] : memref<1000000x32xf32, #tpu.memory_space<hbm>> -> memref<1000000x32xf32, #tpu.memory_space<hbm>>
      %dma_wait3A_152 = tpu.memref_slice %arg9[%dma_wait3A_141] : memref<2x!tpu.dma_semaphore, #tpu.memory_space<semaphore_mem>> -> memref<1x!tpu.dma_semaphore, #tpu.memory_space<semaphore_mem>>
      %dma_wait3A_153 = tpu.memref_squeeze %dma_wait3A_152 : memref<1x!tpu.dma_semaphore, #tpu.memory_space<semaphore_mem>> -> memref<!tpu.dma_semaphore, #tpu.memory_space<semaphore_mem>>
      tpu.wait_indirect_dma semaphore(%dma_wait3A_153 : memref<!tpu.dma_semaphore, #tpu.memory_space<semaphore_mem>>) src(%dma_wait3A_151 : memref<1000000x32xf32, #tpu.memory_space<hbm>>) dst(%dma_wait3A_145 : memref<512x32xf32, #tpu.memory_space<vmem>>)
      %ge3A_154 = arith.constant 2 : i32
      %ge3A_155 = arith.cmpi sge, %add3A_138, %ge3A_154 : i32
      %convert_element_type3A_156 = arith.extui %ge3A_155 : i1 to i32
      %cond3A_157 = arith.constant 0 : i32
      %cond3A_158 = arith.cmpi ne, %convert_element_type3A_156, %cond3A_157 : i32
      scf.if %cond3A_158 {
        %dma_wait3A_192 = arith.constant 1 : i32
        %dma_wait3A_193 = arith.constant 1 : i32
        %dma_wait3A_194 = arith.constant 0 : i32
        %dma_wait3A_195 = arith.constant 0 : i32
        %dma_wait3A_196 = tpu.memref_slice %arg8[%dma_wait3A_192, %dma_wait3A_194, %dma_wait3A_195] : memref<2x32x512xf32, #tpu.memory_space<vmem>> -> memref<1x32x512xf32, #tpu.memory_space<vmem>>
        %dma_wait3A_197 = tpu.memref_squeeze %dma_wait3A_196 : memref<1x32x512xf32, #tpu.memory_space<vmem>> -> memref<32x512xf32, #tpu.memory_space<vmem>>
        %dma_wait3A_198 = arith.constant 0 : i32
        %dma_wait3A_199 = tpu.memref_slice %arg4[%add3A_138, %dma_wait3A_198, %mul3A_2] : memref<50x32x16384xf32, #tpu.memory_space<hbm>> -> memref<1x32x512xf32, #tpu.memory_space<hbm>>
        %dma_wait3A_200 = tpu.memref_squeeze %dma_wait3A_199 : memref<1x32x512xf32, #tpu.memory_space<hbm>> -> memref<32x512xf32, #tpu.memory_space<hbm>>
        %dma_wait3A_201 = tpu.memref_slice %arg10[%dma_wait3A_193] : memref<2x!tpu.dma_semaphore, #tpu.memory_space<semaphore_mem>> -> memref<1x!tpu.dma_semaphore, #tpu.memory_space<semaphore_mem>>
        %dma_wait3A_202 = tpu.memref_squeeze %dma_wait3A_201 : memref<1x!tpu.dma_semaphore, #tpu.memory_space<semaphore_mem>> -> memref<!tpu.dma_semaphore, #tpu.memory_space<semaphore_mem>>
        %dma_wait3A_203 = arith.constant 0 : i32
        %dma_wait3A_204 = tpu.memref_slice %arg4[%add3A_138, %dma_wait3A_203, %mul3A_2] : memref<50x32x16384xf32, #tpu.memory_space<hbm>> -> memref<1x32x512xf32, #tpu.memory_space<hbm>>
        %dma_wait3A_205 = tpu.memref_squeeze %dma_wait3A_204 : memref<1x32x512xf32, #tpu.memory_space<hbm>> -> memref<32x512xf32, #tpu.memory_space<hbm>>
        %dma_wait3A_206 = arith.constant 0 : i32
        %dma_wait3A_207 = arith.constant 0 : i32
        %dma_wait3A_208 = tpu.memref_slice %arg8[%dma_wait3A_192, %dma_wait3A_206, %dma_wait3A_207] : memref<2x32x512xf32, #tpu.memory_space<vmem>> -> memref<1x32x512xf32, #tpu.memory_space<vmem>>
        %dma_wait3A_209 = tpu.memref_squeeze %dma_wait3A_208 : memref<1x32x512xf32, #tpu.memory_space<vmem>> -> memref<32x512xf32, #tpu.memory_space<vmem>>
        tpu.wait_dma2 semaphore(%dma_wait3A_202 : memref<!tpu.dma_semaphore, #tpu.memory_space<semaphore_mem>>) src(%dma_wait3A_209 : memref<32x512xf32, #tpu.memory_space<vmem>>) dst(%dma_wait3A_205 : memref<32x512xf32, #tpu.memory_space<hbm>>)
      } else {
      }
      %parallel_loop3A_159 = arith.constant 0 : i32
      %parallel_loop3A_160 = arith.constant 512 : i32
      %parallel_loop3A_161 = arith.constant 1 : i32
      %parallel_loop3A_162 = arith.constant 1 : i32
      scf.for %parallel_loop3A_192 = %parallel_loop3A_159 to %parallel_loop3A_160 step %parallel_loop3A_161  : i32 {
        %parallel_loop3A_193 = vector.broadcast %parallel_loop3A_192 : i32 to vector<16xi32>
        %parallel_loop3A_194 = arith.addi %mul3A_5, %parallel_loop3A_193 : vector<16xi32>
        %parallel_loop3A_195 = arith.constant 0 : i32
        %parallel_loop3A_196 = arith.constant 0 : i32
        %parallel_loop3A_197 = tpu.memref_slice %arg6[%parallel_loop3A_162, %parallel_loop3A_195, %parallel_loop3A_196] : memref<2x512x32xf32, #tpu.memory_space<vmem>> -> memref<1x512x32xf32, #tpu.memory_space<vmem>>
        %parallel_loop3A_198 = tpu.memref_squeeze %parallel_loop3A_197 : memref<1x512x32xf32, #tpu.memory_space<vmem>> -> memref<512x32xf32, #tpu.memory_space<vmem>>
        %parallel_loop3A_199 = arith.index_cast %parallel_loop3A_192 : i32 to index
        %parallel_loop3A_200 = arith.constant 0 : index
        %parallel_loop3A_201 = tpu.vector_load %parallel_loop3A_198[%parallel_loop3A_199, %parallel_loop3A_200] {strides = array<i32>} : memref<512x32xf32, #tpu.memory_space<vmem>>, vector<16xf32>,
        tpu.vector_store_idx %arg7[%parallel_loop3A_194], %parallel_loop3A_201 : memref<16416xf32, #tpu.memory_space<vmem>>[vector<16xi32>], vector<16xf32>,
        %parallel_loop3A_202 = vector.broadcast %parallel_loop3A_192 : i32 to vector<16xi32>
        %parallel_loop3A_203 = arith.addi %add3A_8, %parallel_loop3A_202 : vector<16xi32>
        %parallel_loop3A_204 = arith.constant 0 : i32
        %parallel_loop3A_205 = arith.constant 0 : i32
        %parallel_loop3A_206 = tpu.memref_slice %arg6[%parallel_loop3A_162, %parallel_loop3A_204, %parallel_loop3A_205] : memref<2x512x32xf32, #tpu.memory_space<vmem>> -> memref<1x512x32xf32, #tpu.memory_space<vmem>>
        %parallel_loop3A_207 = tpu.memref_squeeze %parallel_loop3A_206 : memref<1x512x32xf32, #tpu.memory_space<vmem>> -> memref<512x32xf32, #tpu.memory_space<vmem>>
        %parallel_loop3A_208 = arith.index_cast %parallel_loop3A_192 : i32 to index
        %parallel_loop3A_209 = arith.constant 16 : index
        %parallel_loop3A_210 = tpu.vector_load %parallel_loop3A_207[%parallel_loop3A_208, %parallel_loop3A_209] {strides = array<i32>} : memref<512x32xf32, #tpu.memory_space<vmem>>, vector<16xf32>,
        tpu.vector_store_idx %arg7[%parallel_loop3A_203], %parallel_loop3A_210 : memref<16416xf32, #tpu.memory_space<vmem>>[vector<16xi32>], vector<16xf32>,
      } {sc.loop_unroll_factor = 16 : i64, sc.parallel_access}
      %parallel_loop3A_163 = arith.constant 0 : i32
      %parallel_loop3A_164 = arith.constant 1024 : i32
      %parallel_loop3A_165 = arith.constant 1 : i32
      %parallel_loop3A_166 = arith.constant 1 : i32
      scf.for %parallel_loop3A_192 = %parallel_loop3A_163 to %parallel_loop3A_164 step %parallel_loop3A_165  : i32 {
        %parallel_loop3A_193 = arith.constant 5 : i32
        %parallel_loop3A_194 = arith.shrsi %parallel_loop3A_192, %parallel_loop3A_193 : i32
        %parallel_loop3A_195 = arith.constant 31 : i32
        %parallel_loop3A_196 = arith.andi %parallel_loop3A_192, %parallel_loop3A_195 : i32
        %parallel_loop3A_197 = arith.constant 16 : i32
        %parallel_loop3A_198 = arith.muli %parallel_loop3A_196, %parallel_loop3A_197 : i32
        %parallel_loop3A_199 = arith.constant 513 : i32
        %parallel_loop3A_200 = arith.muli %parallel_loop3A_194, %parallel_loop3A_199 : i32
        %parallel_loop3A_201 = arith.addi %parallel_loop3A_200, %parallel_loop3A_198 : i32
        %parallel_loop3A_202 = vector.broadcast %parallel_loop3A_201 : i32 to vector<16xi32>
        %parallel_loop3A_203 = arith.addi %parallel_loop3A_202, %iota3A : vector<16xi32>
        %parallel_loop3A_204 = tpu.vector_load_idx %arg7[%parallel_loop3A_203] : memref<16416xf32, #tpu.memory_space<vmem>>[vector<16xi32>], vector<16xf32>,
        %parallel_loop3A_205 = arith.constant 0 : i32
        %parallel_loop3A_206 = arith.constant 0 : i32
        %parallel_loop3A_207 = tpu.memref_slice %arg8[%parallel_loop3A_166, %parallel_loop3A_205, %parallel_loop3A_206] : memref<2x32x512xf32, #tpu.memory_space<vmem>> -> memref<1x32x512xf32, #tpu.memory_space<vmem>>
        %parallel_loop3A_208 = tpu.memref_squeeze %parallel_loop3A_207 : memref<1x32x512xf32, #tpu.memory_space<vmem>> -> memref<32x512xf32, #tpu.memory_space<vmem>>
        %parallel_loop3A_209 = arith.index_cast %parallel_loop3A_194 : i32 to index
        %parallel_loop3A_210 = arith.index_cast %parallel_loop3A_198 : i32 to index
        %parallel_loop3A_211 = tpu.vector_load %parallel_loop3A_208[%parallel_loop3A_209, %parallel_loop3A_210] {strides = array<i32>} : memref<32x512xf32, #tpu.memory_space<vmem>>, vector<16xf32>,
        tpu.vector_store %parallel_loop3A_208[%parallel_loop3A_209, %parallel_loop3A_210], %parallel_loop3A_204 {strides = array<i32>} : memref<32x512xf32, #tpu.memory_space<vmem>>, vector<16xf32>,
      } {sc.loop_unroll_factor = 8 : i64, sc.parallel_access}
      %dma_start3A_167 = arith.constant 1 : i32
      %dma_start3A_168 = arith.constant 1 : i32
      %dma_start3A_169 = arith.constant 0 : i32
      %dma_start3A_170 = arith.constant 0 : i32
      %dma_start3A_171 = tpu.memref_slice %arg8[%dma_start3A_167, %dma_start3A_169, %dma_start3A_170] : memref<2x32x512xf32, #tpu.memory_space<vmem>> -> memref<1x32x512xf32, #tpu.memory_space<vmem>>
      %dma_start3A_172 = tpu.memref_squeeze %dma_start3A_171 : memref<1x32x512xf32, #tpu.memory_space<vmem>> -> memref<32x512xf32, #tpu.memory_space<vmem>>
      %dma_start3A_173 = arith.constant 0 : i32
      %dma_start3A_174 = tpu.memref_slice %arg4[%add3A_138, %dma_start3A_173, %mul3A_2] : memref<50x32x16384xf32, #tpu.memory_space<hbm>> -> memref<1x32x512xf32, #tpu.memory_space<hbm>>
      %dma_start3A_175 = tpu.memref_squeeze %dma_start3A_174 : memref<1x32x512xf32, #tpu.memory_space<hbm>> -> memref<32x512xf32, #tpu.memory_space<hbm>>
      %dma_start3A_176 = tpu.memref_slice %arg10[%dma_start3A_168] : memref<2x!tpu.dma_semaphore, #tpu.memory_space<semaphore_mem>> -> memref<1x!tpu.dma_semaphore, #tpu.memory_space<semaphore_mem>>
      %dma_start3A_177 = tpu.memref_squeeze %dma_start3A_176 : memref<1x!tpu.dma_semaphore, #tpu.memory_space<semaphore_mem>> -> memref<!tpu.dma_semaphore, #tpu.memory_space<semaphore_mem>>
      %dma_start3A_178 = arith.constant 0 : i32
      %dma_start3A_179 = tpu.memref_slice %arg4[%add3A_138, %dma_start3A_178, %mul3A_2] : memref<50x32x16384xf32, #tpu.memory_space<hbm>> -> memref<1x32x512xf32, #tpu.memory_space<hbm>>
      %dma_start3A_180 = tpu.memref_squeeze %dma_start3A_179 : memref<1x32x512xf32, #tpu.memory_space<hbm>> -> memref<32x512xf32, #tpu.memory_space<hbm>>
      %dma_start3A_181 = arith.constant 0 : i32
      %dma_start3A_182 = arith.constant 0 : i32
      %dma_start3A_183 = tpu.memref_slice %arg8[%dma_start3A_167, %dma_start3A_181, %dma_start3A_182] : memref<2x32x512xf32, #tpu.memory_space<vmem>> -> memref<1x32x512xf32, #tpu.memory_space<vmem>>
      %dma_start3A_184 = tpu.memref_squeeze %dma_start3A_183 : memref<1x32x512xf32, #tpu.memory_space<vmem>> -> memref<32x512xf32, #tpu.memory_space<vmem>>
      tpu.enqueue_dma source(%dma_start3A_184 : memref<32x512xf32, #tpu.memory_space<vmem>>) target(%dma_start3A_180 : memref<32x512xf32, #tpu.memory_space<hbm>>) target_semaphore(%dma_start3A_177 : memref<!tpu.dma_semaphore, #tpu.memory_space<semaphore_mem>>)
      %add3A_185 = arith.constant 2 : i32
      %add3A_186 = arith.addi %add3A_138, %add3A_185 : i32
      %lt3A_187 = arith.constant 50 : i32
      %lt3A_188 = arith.cmpi slt, %add3A_186, %lt3A_187 : i32
      %convert_element_type3A_189 = arith.extui %lt3A_188 : i1 to i32
      %cond3A_190 = arith.constant 0 : i32
      %cond3A_191 = arith.cmpi ne, %convert_element_type3A_189, %cond3A_190 : i32
      scf.if %cond3A_191 {
        %add3A_192 = arith.constant 2 : i32
        %add3A_193 = arith.addi %add3A_138, %add3A_192 : i32
        %run_scoped3A_194 = arith.constant 1 : i32
        "tpu.region"() ({
          %run_scoped3A_210 = tpu.sem_alloc : memref<!tpu.dma_semaphore, #tpu.memory_space<semaphore_mem>>
          %dma_start3A_211 = arith.constant 0 : i32
          %dma_start3A_212 = tpu.memref_slice %arg5[%run_scoped3A_194, %dma_start3A_211] : memref<2x512xi32, #tpu.memory_space<vmem>> -> memref<1x512xi32, #tpu.memory_space<vmem>>
          %dma_start3A_213 = tpu.memref_squeeze %dma_start3A_212 : memref<1x512xi32, #tpu.memory_space<vmem>> -> memref<512xi32, #tpu.memory_space<vmem>>
          %dma_start3A_214 = tpu.memref_slice %arg3[%add3A_193, %mul3A_2] : memref<50x16384xi32, #tpu.memory_space<hbm>> -> memref<1x512xi32, #tpu.memory_space<hbm>>
          %dma_start3A_215 = tpu.memref_squeeze %dma_start3A_214 : memref<1x512xi32, #tpu.memory_space<hbm>> -> memref<512xi32, #tpu.memory_space<hbm>>
          %dma_start3A_216 = arith.constant 0 : i32
          %dma_start3A_217 = tpu.memref_slice %arg5[%run_scoped3A_194, %dma_start3A_216] : memref<2x512xi32, #tpu.memory_space<vmem>> -> memref<1x512xi32, #tpu.memory_space<vmem>>
          %dma_start3A_218 = tpu.memref_squeeze %dma_start3A_217 : memref<1x512xi32, #tpu.memory_space<vmem>> -> memref<512xi32, #tpu.memory_space<vmem>>
          %dma_start3A_219 = tpu.memref_slice %arg3[%add3A_193, %mul3A_2] : memref<50x16384xi32, #tpu.memory_space<hbm>> -> memref<1x512xi32, #tpu.memory_space<hbm>>
          %dma_start3A_220 = tpu.memref_squeeze %dma_start3A_219 : memref<1x512xi32, #tpu.memory_space<hbm>> -> memref<512xi32, #tpu.memory_space<hbm>>
          tpu.enqueue_dma source(%dma_start3A_220 : memref<512xi32, #tpu.memory_space<hbm>>) target(%dma_start3A_218 : memref<512xi32, #tpu.memory_space<vmem>>) target_semaphore(%run_scoped3A_210 : memref<!tpu.dma_semaphore, #tpu.memory_space<semaphore_mem>>)
          %dma_wait3A_221 = arith.constant 0 : i32
          %dma_wait3A_222 = tpu.memref_slice %arg5[%run_scoped3A_194, %dma_wait3A_221] : memref<2x512xi32, #tpu.memory_space<vmem>> -> memref<1x512xi32, #tpu.memory_space<vmem>>
          %dma_wait3A_223 = tpu.memref_squeeze %dma_wait3A_222 : memref<1x512xi32, #tpu.memory_space<vmem>> -> memref<512xi32, #tpu.memory_space<vmem>>
          %dma_wait3A_224 = tpu.memref_slice %arg3[%add3A_193, %mul3A_2] : memref<50x16384xi32, #tpu.memory_space<hbm>> -> memref<1x512xi32, #tpu.memory_space<hbm>>
          %dma_wait3A_225 = tpu.memref_squeeze %dma_wait3A_224 : memref<1x512xi32, #tpu.memory_space<hbm>> -> memref<512xi32, #tpu.memory_space<hbm>>
          %dma_wait3A_226 = arith.constant 0 : i32
          %dma_wait3A_227 = tpu.memref_slice %arg5[%run_scoped3A_194, %dma_wait3A_226] : memref<2x512xi32, #tpu.memory_space<vmem>> -> memref<1x512xi32, #tpu.memory_space<vmem>>
          %dma_wait3A_228 = tpu.memref_squeeze %dma_wait3A_227 : memref<1x512xi32, #tpu.memory_space<vmem>> -> memref<512xi32, #tpu.memory_space<vmem>>
          %dma_wait3A_229 = tpu.memref_slice %arg3[%add3A_193, %mul3A_2] : memref<50x16384xi32, #tpu.memory_space<hbm>> -> memref<1x512xi32, #tpu.memory_space<hbm>>
          %dma_wait3A_230 = tpu.memref_squeeze %dma_wait3A_229 : memref<1x512xi32, #tpu.memory_space<hbm>> -> memref<512xi32, #tpu.memory_space<hbm>>
          tpu.wait_dma2 semaphore(%run_scoped3A_210 : memref<!tpu.dma_semaphore, #tpu.memory_space<semaphore_mem>>) src(%dma_wait3A_230 : memref<512xi32, #tpu.memory_space<hbm>>) dst(%dma_wait3A_228 : memref<512xi32, #tpu.memory_space<vmem>>)
          tpu.yield
        }) : () -> ()
        %dma_start3A_195 = arith.constant 1 : i32
        %dma_start3A_196 = arith.constant 1 : i32
        %dma_start3A_197 = arith.constant 1 : i32
        %dma_start3A_198 = arith.constant 0 : i32
        %dma_start3A_199 = arith.constant 0 : i32
        %dma_start3A_200 = tpu.memref_slice %arg6[%dma_start3A_196, %dma_start3A_198, %dma_start3A_199] : memref<2x512x32xf32, #tpu.memory_space<vmem>> -> memref<1x512x32xf32, #tpu.memory_space<vmem>>
        %dma_start3A_201 = tpu.memref_squeeze %dma_start3A_200 : memref<1x512x32xf32, #tpu.memory_space<vmem>> -> memref<512x32xf32, #tpu.memory_space<vmem>>
        %dma_start3A_202 = arith.constant 0 : i32
        %dma_start3A_203 = tpu.memref_slice %arg5[%dma_start3A_195, %dma_start3A_202] : memref<2x512xi32, #tpu.memory_space<vmem>> -> memref<1x512xi32, #tpu.memory_space<vmem>>
        %dma_start3A_204 = tpu.memref_squeeze %dma_start3A_203 : memref<1x512xi32, #tpu.memory_space<vmem>> -> memref<512xi32, #tpu.memory_space<vmem>>
        %dma_start3A_205 = arith.constant 0 : i32
        %dma_start3A_206 = arith.constant 0 : i32
        %dma_start3A_207 = tpu.memref_slice %arg2[%dma_start3A_205, %dma_start3A_206] : memref<1000000x32xf32, #tpu.memory_space<hbm>> -> memref<1000000x32xf32, #tpu.memory_space<hbm>>
        %dma_start3A_208 = tpu.memref_slice %arg9[%dma_start3A_197] : memref<2x!tpu.dma_semaphore, #tpu.memory_space<semaphore_mem>> -> memref<1x!tpu.dma_semaphore, #tpu.memory_space<semaphore_mem>>
        %dma_start3A_209 = tpu.memref_squeeze %dma_start3A_208 : memref<1x!tpu.dma_semaphore, #tpu.memory_space<semaphore_mem>> -> memref<!tpu.dma_semaphore, #tpu.memory_space<semaphore_mem>>
        tpu.enqueue_indirect_dma source(%dma_start3A_207 : memref<1000000x32xf32, #tpu.memory_space<hbm>>) target(%dma_start3A_201 : memref<512x32xf32, #tpu.memory_space<vmem>>) offsets(%dma_start3A_204 : memref<512xi32, #tpu.memory_space<vmem>>) semaphore(%dma_start3A_209 : memref<!tpu.dma_semaphore, #tpu.memory_space<semaphore_mem>>)
      } else {
      }
    }
    %scan3A_44 = arith.constant 25 : i32
    %dma_wait3A = arith.constant 0 : i32
    %dma_wait3A_45 = arith.constant 48 : i32
    %dma_wait3A_46 = arith.constant 0 : i32
    %dma_wait3A_47 = arith.constant 0 : i32
    %dma_wait3A_48 = arith.constant 0 : i32
    %dma_wait3A_49 = tpu.memref_slice %arg8[%dma_wait3A, %dma_wait3A_47, %dma_wait3A_48] : memref<2x32x512xf32, #tpu.memory_space<vmem>> -> memref<1x32x512xf32, #tpu.memory_space<vmem>>
    %dma_wait3A_50 = tpu.memref_squeeze %dma_wait3A_49 : memref<1x32x512xf32, #tpu.memory_space<vmem>> -> memref<32x512xf32, #tpu.memory_space<vmem>>
    %dma_wait3A_51 = arith.constant 0 : i32
    %dma_wait3A_52 = tpu.memref_slice %arg4[%dma_wait3A_45, %dma_wait3A_51, %mul3A_2] : memref<50x32x16384xf32, #tpu.memory_space<hbm>> -> memref<1x32x512xf32, #tpu.memory_space<hbm>>
    %dma_wait3A_53 = tpu.memref_squeeze %dma_wait3A_52 : memref<1x32x512xf32, #tpu.memory_space<hbm>> -> memref<32x512xf32, #tpu.memory_space<hbm>>
    %dma_wait3A_54 = tpu.memref_slice %arg10[%dma_wait3A_46] : memref<2x!tpu.dma_semaphore, #tpu.memory_space<semaphore_mem>> -> memref<1x!tpu.dma_semaphore, #tpu.memory_space<semaphore_mem>>
    %dma_wait3A_55 = tpu.memref_squeeze %dma_wait3A_54 : memref<1x!tpu.dma_semaphore, #tpu.memory_space<semaphore_mem>> -> memref<!tpu.dma_semaphore, #tpu.memory_space<semaphore_mem>>
    %dma_wait3A_56 = arith.constant 0 : i32
    %dma_wait3A_57 = tpu.memref_slice %arg4[%dma_wait3A_45, %dma_wait3A_56, %mul3A_2] : memref<50x32x16384xf32, #tpu.memory_space<hbm>> -> memref<1x32x512xf32, #tpu.memory_space<hbm>>
    %dma_wait3A_58 = tpu.memref_squeeze %dma_wait3A_57 : memref<1x32x512xf32, #tpu.memory_space<hbm>> -> memref<32x512xf32, #tpu.memory_space<hbm>>
    %dma_wait3A_59 = arith.constant 0 : i32
    %dma_wait3A_60 = arith.constant 0 : i32
    %dma_wait3A_61 = tpu.memref_slice %arg8[%dma_wait3A, %dma_wait3A_59, %dma_wait3A_60] : memref<2x32x512xf32, #tpu.memory_space<vmem>> -> memref<1x32x512xf32, #tpu.memory_space<vmem>>
    %dma_wait3A_62 = tpu.memref_squeeze %dma_wait3A_61 : memref<1x32x512xf32, #tpu.memory_space<vmem>> -> memref<32x512xf32, #tpu.memory_space<vmem>>
    tpu.wait_dma2 semaphore(%dma_wait3A_55 : memref<!tpu.dma_semaphore, #tpu.memory_space<semaphore_mem>>) src(%dma_wait3A_62 : memref<32x512xf32, #tpu.memory_space<vmem>>) dst(%dma_wait3A_58 : memref<32x512xf32, #tpu.memory_space<hbm>>)
    %dma_wait3A_63 = arith.constant 1 : i32
    %dma_wait3A_64 = arith.constant 49 : i32
    %dma_wait3A_65 = arith.constant 1 : i32
    %dma_wait3A_66 = arith.constant 0 : i32
    %dma_wait3A_67 = arith.constant 0 : i32
    %dma_wait3A_68 = tpu.memref_slice %arg8[%dma_wait3A_63, %dma_wait3A_66, %dma_wait3A_67] : memref<2x32x512xf32, #tpu.memory_space<vmem>> -> memref<1x32x512xf32, #tpu.memory_space<vmem>>
    %dma_wait3A_69 = tpu.memref_squeeze %dma_wait3A_68 : memref<1x32x512xf32, #tpu.memory_space<vmem>> -> memref<32x512xf32, #tpu.memory_space<vmem>>
    %dma_wait3A_70 = arith.constant 0 : i32
    %dma_wait3A_71 = tpu.memref_slice %arg4[%dma_wait3A_64, %dma_wait3A_70, %mul3A_2] : memref<50x32x16384xf32, #tpu.memory_space<hbm>> -> memref<1x32x512xf32, #tpu.memory_space<hbm>>
    %dma_wait3A_72 = tpu.memref_squeeze %dma_wait3A_71 : memref<1x32x512xf32, #tpu.memory_space<hbm>> -> memref<32x512xf32, #tpu.memory_space<hbm>>
    %dma_wait3A_73 = tpu.memref_slice %arg10[%dma_wait3A_65] : memref<2x!tpu.dma_semaphore, #tpu.memory_space<semaphore_mem>> -> memref<1x!tpu.dma_semaphore, #tpu.memory_space<semaphore_mem>>
    %dma_wait3A_74 = tpu.memref_squeeze %dma_wait3A_73 : memref<1x!tpu.dma_semaphore, #tpu.memory_space<semaphore_mem>> -> memref<!tpu.dma_semaphore, #tpu.memory_space<semaphore_mem>>
    %dma_wait3A_75 = arith.constant 0 : i32
    %dma_wait3A_76 = tpu.memref_slice %arg4[%dma_wait3A_64, %dma_wait3A_75, %mul3A_2] : memref<50x32x16384xf32, #tpu.memory_space<hbm>> -> memref<1x32x512xf32, #tpu.memory_space<hbm>>
    %dma_wait3A_77 = tpu.memref_squeeze %dma_wait3A_76 : memref<1x32x512xf32, #tpu.memory_space<hbm>> -> memref<32x512xf32, #tpu.memory_space<hbm>>
    %dma_wait3A_78 = arith.constant 0 : i32
    %dma_wait3A_79 = arith.constant 0 : i32
    %dma_wait3A_80 = tpu.memref_slice %arg8[%dma_wait3A_63, %dma_wait3A_78, %dma_wait3A_79] : memref<2x32x512xf32, #tpu.memory_space<vmem>> -> memref<1x32x512xf32, #tpu.memory_space<vmem>>
    %dma_wait3A_81 = tpu.memref_squeeze %dma_wait3A_80 : memref<1x32x512xf32, #tpu.memory_space<vmem>> -> memref<32x512xf32, #tpu.memory_space<vmem>>
    tpu.wait_dma2 semaphore(%dma_wait3A_74 : memref<!tpu.dma_semaphore, #tpu.memory_space<semaphore_mem>>) src(%dma_wait3A_81 : memref<32x512xf32, #tpu.memory_space<vmem>>) dst(%dma_wait3A_77 : memref<32x512xf32, #tpu.memory_space<hbm>>)
    return
  }
}

</mosaic_0001>

<sc_bundles>
// kernel: _gather.3.cloned.1.call-start
scs
__scs_entry_jumppad:
0x0: {  	(pc) =	sbr.rel $0x88, $3  }
0x1: {  	(tag) =	ssettag $0x0;
	lr =	simm.s32 $0x1  }
0x2: {  	[smem:$0x3F9F] =	sst lr;
	_ =	strace $0xD0000000  }
0x3: {  	_ = 	snop  }
0x4: {  	_ = 	snop  }
0x5: {  	_ = 	snop  }
0x6: {  	_ = 	snop  }
0x7: {  	_ = 	snop  }
__scs_overlays_trampoline_lowered:
0x8: {  	[smem:$0x3FAE] =	sst s0  }
0x9: {  	[smem:$0x3FAF] =	sst s1  }
0xa: {  	[smem:$0x3FB0] =	sst s2  }
0xb: {  	[smem:$0x3FB1] =	sst s3  }
0xc: {  	[smem:$0x3FB2] =	sst s4  }
0xd: {  	[smem:$0x3FB3] =	sst s5  }
0xe: {  	[smem:$0x3FB4] =	sst s6  }
0xf: {  	[smem:$0x3FB5] =	sst s7  }
0x10: {  	[smem:$0x3FB6] =	sst s8  }
0x11: {  	[smem:$0x3FB7] =	sst s9;
	s0 =	simm.s32 @!p0 $0x0  }
0x12: {  	s1 =	sld [smem:$0x3F9D];
	s0 =	simm.s32 @p0 $0x1  }
0x13: {  	[smem:$0x3FB8] =	sst s0;
	s0 =	simm.s32 @!p1 $0x0  }
0x14: {  	s2 =	sld [smem:$0x3F9C];
	s0 =	simm.s32 @p1 $0x1  }
0x15: {  	[smem:$0x3FB9] =	sst s0;
	s0 =	simm.s32 @!p2 $0x0  }
0x16: {  	s3 =	sld [smem:$0x3FDB];
	s0 =	simm.s32 @p2 $0x1  }
0x17: {  	s4 =	simm.s32 $0x1BF5;
	[smem:$0x3FBB] =	sst s0  }
0x18: {  	s0 =	sld [smem:$0x3F9E];
	_ =	swait.ge [sflag:s4], $0x0  }
0x19: {  	s7 =	sld [smem:$0x3F9F]  }
0x1a: {  	s8 =	sadd.s32 $0xFFFFE003, lr  }
0x1b: {  	s9 =	sadd.s32 $0xFFFFFEF7, lr;
	s5 =	simm.s32 $0xFFFFFFFF;
	p2 =	slt.u32 s8, $0xFFFFF086  }
0x1c: {  	p1 =	slt.u32 s9, $0xF7A;
	s5 =	simm.s32 @!p2 $0x0  }
0x1d: {  	s5 =	simm.s32 @p1 $0x1;
	p0 =	seq.s32 s7, s2  }
0x1e: {  	s7 =	smul.u32 @!p0 $0xF7A, s2;
	p2 =	seq.s32 @!p0 s5, $0x0  }
0x1f: {  	s9 =	smul.u32 $0xF7A, s1;
	s8 =	simm.s32 @!p0 $0x1BF5;
	p2 =	por !p2, p0  }
0x20: {  	[sflag:s8] =	ssyncset.s32 @!p0 $0xFFFFF086;
	s6 =	sadd.s32 @!p0 s3, s7;
	s7 =	simm.s32 @!p0 $0x108  }
0x21: {  	s3 =	sadd.s32 s3, s9;
	s6 =	sadd.s32 @!p0 $0x88, s6;
	s7 =	simm.s32 @p2 $0x1082  }
0x22: {  	[simem:s7], [sflag:s8] =	dma.local @!p0 [hbm:s6], $0xF7A  }
0x23: {  	s9 =	sor.u32 $0xD0000000, s2;
	s6 =	simm.s32 $0x108;
	_ =	swait.ge @!p0 [sflag:s8], $0x0  }
0x24: {  	s3 =	sadd.s32 $0x88, s3;
	s6 =	simm.s32 @!p1 $0x1082;
	[sflag:s4] =	ssyncset.s32 $0xFFFFF086  }
0x25: {  	[simem:s6], [sflag:s4] =	dma.local [hbm:s3], $0xF7A  }
0x26: {  	[smem:$0x3F9F] =	sst s1;
	(tag) =	ssettag s2;
	_ =	strace s9  }
0x27: {  	s1 =	sld [smem:$0x3FAF]  }
0x28: {  	s2 =	sld [smem:$0x3FB0]  }
0x29: {  	s4 =	sld [smem:$0x3FB2]  }
0x2a: {  	p0 =	seq.s32 s5, $0x0;
	s5 =	sld [smem:$0x3FB3]  }
0x2b: {  	s6 =	sld [smem:$0x3FB4]  }
0x2c: {  	s7 =	sld [smem:$0x3FB5]  }
0x2d: {  	s3 =	simm.s32 $0x108;
	s8 =	sld [smem:$0x3FB6]  }
0x2e: {  	s3 =	simm.s32 @!p0 $0x1082;
	s9 =	sld [smem:$0x3FB7]  }
0x2f: {  	lr =	sadd.s32 s0, s3;
	s0 =	sld [smem:$0x3FAE]  }
0x30: {  	s3 =	sld [smem:$0x3FB1]  }
0x31: {  	[smem:$0x3FBA] =	sst s10  }
0x32: {  	s10 =	sld [smem:$0x3FB8];
	_ =	sdelay $0x3  }
0x33: {  	p0 =	seq.s32 s10, $0x1;
	s10 =	sld [smem:$0x3FBA];
	_ =	sdelay $0x3  }
0x34: {  	[smem:$0x3FBA] =	sst s10  }
0x35: {  	s10 =	sld [smem:$0x3FB9];
	_ =	sdelay $0x3  }
0x36: {  	p1 =	seq.s32 s10, $0x1;
	s10 =	sld [smem:$0x3FBA];
	_ =	sdelay $0x3  }
0x37: {  	[smem:$0x3FBA] =	sst s10  }
0x38: {  	s10 =	sld [smem:$0x3FBB]  }
0x39: {  	_ = 	snop;
	(pc) =	sbr.ind lr, $3  }
0x3a: {  	_ = 	snop  }
0x3b: {  	_ = 	snop  }
0x3c: {  	p2 =	seq.s32 s10, $0x1;
	s10 =	sld [smem:$0x3FBA]  }
0x3d: {  	_ =	shalt  }
0x3e: {  	_ =	shalt  }
0x3f: {  	_ =	shalt  }
0x40: {  	_ =	shalt  }
0x41: {  	_ =	shalt  }
0x42: {  	_ =	shalt  }
0x43: {  	_ =	shalt  }
0x44: {  	_ =	shalt  }
0x45: {  	_ =	shalt  }
0x46: {  	_ =	shalt  }
0x47: {  	_ =	shalt  }
0x48: {  	_ =	shalt  }
0x49: {  	_ =	shalt  }
0x4a: {  	_ =	shalt  }
0x4b: {  	_ =	shalt  }
0x4c: {  	_ =	shalt  }
0x4d: {  	_ =	shalt  }
0x4e: {  	_ =	shalt  }
0x4f: {  	_ =	shalt  }
0x50: {  	_ =	shalt  }
0x51: {  	_ =	shalt  }
0x52: {  	_ =	shalt  }
0x53: {  	_ =	shalt  }
0x54: {  	_ =	shalt  }
0x55: {  	_ =	shalt  }
0x56: {  	_ =	shalt  }
0x57: {  	_ =	shalt  }
0x58: {  	_ =	shalt  }
0x59: {  	_ =	shalt  }
0x5a: {  	_ =	shalt  }
0x5b: {  	_ =	shalt  }
0x5c: {  	_ =	shalt  }
0x5d: {  	_ =	shalt  }
0x5e: {  	_ =	shalt  }
0x5f: {  	_ =	shalt  }
0x60: {  	_ =	shalt  }
0x61: {  	_ =	shalt  }
0x62: {  	_ =	shalt  }
0x63: {  	_ =	shalt  }
0x64: {  	_ =	shalt  }
0x65: {  	_ =	shalt  }
0x66: {  	_ =	shalt  }
0x67: {  	_ =	shalt  }
0x68: {  	_ =	shalt  }
0x69: {  	_ =	shalt  }
0x6a: {  	_ =	shalt  }
0x6b: {  	_ =	shalt  }
0x6c: {  	_ =	shalt  }
0x6d: {  	_ =	shalt  }
0x6e: {  	_ =	shalt  }
0x6f: {  	_ =	shalt  }
0x70: {  	_ =	shalt  }
0x71: {  	_ =	shalt  }
0x72: {  	_ =	shalt  }
0x73: {  	_ =	shalt  }
0x74: {  	_ =	shalt  }
0x75: {  	_ =	shalt  }
0x76: {  	_ =	shalt  }
0x77: {  	_ =	shalt  }
0x78: {  	_ =	shalt  }
0x79: {  	_ =	shalt  }
0x7a: {  	_ =	shalt  }
0x7b: {  	_ =	shalt  }
0x7c: {  	_ =	shalt  }
0x7d: {  	_ =	shalt  }
0x7e: {  	_ =	shalt  }
0x7f: {  	_ =	shalt  }
0x80: {  	_ =	shalt  }
0x81: {  	_ =	shalt  }
0x82: {  	_ =	shalt  }
0x83: {  	_ =	shalt  }
0x84: {  	_ =	shalt  }
0x85: {  	_ =	shalt  }
0x86: {  	_ =	shalt  }
0x87: {  	_ =	shalt  }
.Lfunc_end0:
.L_simem_size_0:
called_computation_lowered:
.L_overlay_start_0:
0x88: {  	s2 =	sld [smem:$0x3FD9]  }
0x89: {  	s3 =	sld [smem:$0x3FFE];
	_ =	sdelay $0x1  }
0x8a: {  	s1 =	srdreg.scid  }
0x8b: {  	s0 =	sand.u32 $0x1, s1  }
0x8c: {  	s17 =	sshll.u32 s0, $0xA;
	s2 =	sadd.s32 s3, s2  }
0x8d: {  	s2 =	sadd.s32 s2, s17  }
0x8e: {  	[smem:$0x3FC6] =	sst s2  }
0x8f: {  	_ = 	snop  }
0x90: {  	s2 =	sld [smem:$0x3FD0];
	(tm) =	ssettm $0x1  }
0x91: {  	s18 =	sld [smem:$0x3FFB];
	_ =	sdelay $0x3  }
0x92: {  	_ =	strace s18  }
0x93: {  	s3 =	sld [smem:$0x3FFC];
	_ =	sdelay $0x3  }
0x94: {  	_ =	strace s3  }
0x95: {  	s3 =	sld [smem:$0x3FFD];
	_ =	sdelay $0x3  }
0x96: {  	_ =	strace s3  }
0x97: {  	_ =	strace $0x8FFFFFFF  }
0x98: {  	s19 =	sld [smem:$0x3FDB];
	_ =	sdelay $0x1  }
0x99: {  	s4 =	simm.s32 $_scs_section_size  }
0x9a: {  	s5 =	simm.s32 $_size__tile_overlayer_lowered;
	s6 =	simm.s32 $_tile_overlayer_lowered  }
0x9b: {  	s22 =	simm.s32 $0x1BFF;
	s21 =	sshll.u32 s6, $0x1;
	s3 =	sadd.s32 s4, s19  }
0x9c: {  	s7 =	simm.s32 $0x0;
	s20 =	sshll.u32 s5, $0x1;
	s5 =	sadd.s32 s21, s3  }
0x9d: {  	[timem:s7], [sflag:s22] =	dma.local [hbm:s5], s20  }
0x9e: {  	_ =	swait.ge [sflag:s22], s20  }
0x9f: {  	s4 =	ssub.s32 $0x0, s20;
	[sflag:s22] =	ssyncset.done $0x0  }
0xa0: {  	[sflag:s22] =	ssyncadd.s32 s4;
	_ =	sdelay $0x1  }
0xa1: {  	s23 =	simm.s32 $0x1B8B  }
0xa2: {  	_ =	swait.ge [sflag:s23], $0x1  }
0xa3: {  	[sflag:s23] =	ssyncset.done $0x0  }
0xa4: {  	s25 =	simm.s32 $0x1B8E;
	s24 =	sld [smem:$0x3FFE];
	[sflag:s23] =	ssyncadd.s32 $0xFFFFFFFF  }
0xa5: {  	s26 =	simm.s32 $execute0_lowered;
	[smem:$0x3FD2] =	sst s25  }
0xa6: {  	s5 =	sshll.u32 s26, $0x1;
	_ =	strace $0x80000046;
	[dreg:$0x1] =	wrdreg $0xFFFFFFFF  }
0xa7: {  	s28 =	simm.s32 $_size_execute0_lowered;
	s3 =	sadd.s32 s3, s5;
	[dreg:$0x0] =	wrdreg $0x0  }
0xa8: {  	s5 =	sshll.u32 s28, $0x1;
	[dreg:$0x2] =	wrdreg s3  }
0xa9: {  	[dreg:$0x3] =	wrdreg s5  }
0xaa: {  	[dreg:$0x4] =	wrdreg $0xC0  }
0xab: {  	_ =	task [dreg:s7], $0x5FFFF  }
0xac: {  	[dreg:$0x1] =	wrdreg $0xFFFFFFFF  }
0xad: {  	[dreg:$0x0] =	wrdreg $0x60  }
0xae: {  	[dreg:$0x2] =	wrdreg s24  }
0xaf: {  	[dreg:$0x3] =	wrdreg s2  }
0xb0: {  	[dreg:$0x4] =	wrdreg $0x9  }
0xb1: {  	_ =	task.clear_ibuf [dreg:s7], $0x5FFFF;
	_ =	strace $0x90000046  }
0xb2: {  	s29 =	simm.s32 $0x9;
	_ =	strace $0x80000048  }
0xb3: {  	_ =	swait.ge [sflag:s29], $0x1  }
0xb4: {  	[sflag:s29] =	ssyncadd.s32 $0xFFFFFFFF  }
0xb5: {  	_ =	strace $0x90000048  }
0xb6: {  	_ =	sfence  }
0xb7: {  	s30 =	sld [smem:$0x0];
	_ =	sdelay $0x2  }
0xb8: {  	s31 =	sshll.u32 s1, $0xD;
	s1 =	sshrl.u32 s1, $0x2  }
0xb9: {  	s3 =	sand.u32 $0x4000, s31;
	s1 =	sadd.s32 s1, s30  }
0xba: {  	s0 =	sor.u32 s3, s0;
	s1 =	sshll.u32 s1, $0x11  }
0xbb: {  	s0 =	sor.u32 s1, s0  }
0xbc: {  	s0 =	sadd.s32 $0x8F2B, s0  }
0xbd: {  	[sflag:s0] =	ssyncadd.remote.s32 $0x1  }
0xbe: {  	_ =	sfence.sel $0xFFFF  }
0xbf: {  	[dreg:$0x0] =	wrdreg $0xFFFFFFFF;
	(pc) =	sbr.abs _section_cstart, $3  }
0xc0: {  	[dreg:$0x1] =	wrdreg $0xFFFFFFFF  }
0xc1: {  	_ =	task.clear_ibuf [dreg:s7], $0x2FFFF;
	_ =	strace $0x9FFFFFFF  }
0xc2: {  	(tm) =	ssettm $0x7FFFFFFF  }
0xc3: {  	_ =	shalt  }
tec
execute0_lowered:
.L_overlay_start_1:
0x0: {  	(tag) =	ssettag $0x1  }
0x1: {  	s0 =	rddreg [dreg:$0x0]  }
0x2: {  	s3 =	rddreg [dreg:$0x1];
	s1 =	srdreg.scid;
	s4 =	simm.s32 $0x0  }
0x3: {  	s2 =	stileid.u32;
	s13 =	simm.s32 $0x5;
	s1 =	sand.u32 $0x1, s1  }
0x4: {  	[smem:$0x7FF] =	sst s4;
	s2 =	sshll.u32 s2, $0xA;
	s5 =	sadd.s32 $0xF42A00, s0  }
0x5: {  	s7 =	sadd.s32 $0x600, s0;
	s0 =	sadd.s32 $0x10600, s0;
	s25 =	sshll.u32 s1, $0x9  }
0x6: {  	_ =	strace $0x80000047;
	s1 =	ssub.s32 $0x2, s1;
	[dreg:$0x4] =	wrdreg s7  }
0x7: {  	[dreg:$0x9] =	wrdreg s0;
	s6 =	sor.u32 s25, s2;
	s26 =	sshrl.u32 s1, $0x1  }
0x8: {  	s4 =	sshrl.u32 s6, $0x3;
	s29 =	sor.u32 $0x8000, s6;
	[dreg:$0x3] =	wrdreg s6  }
.Ltmp0:
0x9: {  	s30 =	sor.u32 $0xC000, s6;
	[dreg:$0x7] =	wrdreg s29;
	(pc) =	sbr.rel .LBB2_1-.Ltmp0, $4  }
0xa: {  	v0 =	vlaneseq.u32;
	s1 =	ssub.s32 s1, s26;
	s28 =	sadd.s32 s3, s4;
	[dreg:$0x8] =	wrdreg s30  }
0xb: {  	s14 =	simm.s32 $0x200;
	v1 =	vmul.u32 $0x201, v0;
	s31 =	smax.u32 s1, $0x1;
	[dreg:$0x5] =	wrdreg s28  }
0xc: {  	s18 =	simm.s32 $0x8400;
	s2 =	sadd.s32 $0x800, s28;
	[dreg:$0xa] =	wrdreg s31  }
0xd: {  	s21 =	simm.s32 $0x2;
	v3 =	vand.u32 $0x7, v0;
	v2 =	vadd.s32 $0x2010, v1;
	[dreg:$0x6] =	wrdreg s2;
	s2 =	simm.s32 $0x0  }
.LBB2_24:
0xe: {  	s0 =	simm.s32 $0x3  }
0xf: {  	_ =	swait.ge [sflag:s0], $0x4000  }
0x10: {  	[sflag:s0] =	ssyncset.done $0x0  }
0x11: {  	s1 =	simm.s32 $0x4;
	[sflag:s0] =	ssyncadd.s32 $0xFFFFC000  }
0x12: {  	_ =	swait.ge [sflag:s1], $0x4000  }
0x13: {  	s2 =	rddreg [dreg:$0xb]  }
0x14: {  	s31 =	rddreg [dreg:$0xa];
	s2 =	sadd.s32 $0x1, s2  }
0x15: {  	p0 =	sne.s32 s2, s31  }
.Ltmp1:
0x16: {  	_ = 	snop;
	(pc) =	sbr.rel @!p0 .LBB2_25-.Ltmp1, $3  }
0x17: {  	_ =	sdelay $0x1  }
0x18: {  	[sflag:s1] =	ssyncset.done $0x0  }
0x19: {  	[sflag:s1] =	ssyncadd.s32 $0xFFFFC000  }
.LBB2_1:
0x1a: {  	[dreg:$0xb] =	wrdreg s2  }
0x1b: {  	s0 =	simm.s32 $0x0;
	s1 =	rddreg [dreg:$0x5]  }
0x1c: {  	[tilespmem:s0], [sflag:$0x5] =	stream.linear.gather [hbm4b:s1+s0], $0x200, $0x38;
	[tilespmem:$0x14420] =	vst v63  }
0x1d: {  	_ =	swait.ge [sflag:s13], $0x200  }
0x1e: {  	[sflag:s13] =	ssyncset.done $0x0  }
0x1f: {  	s29 =	simm.s32 $0x400;
	[sflag:s13] =	ssyncadd.s32 $0xFFFFFE00  }
0x20: {  	[tilespmem:s29], [sflag:$0x1] =	stream.indirect.gather [hbm4b:s5+s14], $0x20, s0, s14, $0xb8;
	[tilespmem:$0x14420] =	vst v63  }
0x21: {  	s30 =	rddreg [dreg:$0x6]  }
0x22: {  	[tilespmem:s14], [sflag:$0x5] =	stream.linear.gather [hbm4b:s30+s0], $0x200, $0x38;
	[tilespmem:$0x14420] =	vst v63  }
0x23: {  	_ =	swait.ge [sflag:s13], $0x200  }
0x24: {  	s17 =	simm.s32 $0x0;
	[sflag:s13] =	ssyncset.done $0x0  }
0x25: {  	s31 =	simm.s32 $0x4400;
	s26 =	simm.s32 $0x0;
	[sflag:s13] =	ssyncadd.s32 $0xFFFFFE00  }
0x26: {  	[tilespmem:s31], [sflag:$0x2] =	stream.indirect.gather [hbm4b:s5+s14], $0x20, s14, s14, $0xb8;
	[tilespmem:$0x14420] =	vst v63  }
.LBB2_2:
0x27: {  	s0 =	simm.s32 $0x1  }
0x28: {  	_ =	swait.ge [sflag:s0], $0x4000  }
0x29: {  	p0 =	seq.s32 s26, $0x0;
	[sflag:s0] =	ssyncset.done $0x0  }
0x2a: {  	[sflag:s0] =	ssyncadd.s32 $0xFFFFC000;
	s0 =	simm.s32 @!p0 $0x3  }
0x2b: {  	s1 =	simm.s32 $0x8;
	_ =	swait.ge @!p0 [sflag:s0], $0x4000  }
0x2c: {  	v4 =	vadd.s32 s1, v1;
	[sflag:s0] =	ssyncset.done @!p0 $0x0  }
0x2d: {  	s30 =	simm.s32 $0x500;
	v4 =	vand.u32 $0x3FF8, v4;
	[sflag:s0] =	ssyncadd.s32 @!p0 $0xFFFFC000  }
0x2e: {  	s25 =	simm.s32 $0x1;
	v4 =	vor.u32 v3, v4;
	v5 =	vld [tilespmem:s30+$0x0]  }
0x2f: {  	s2 =	simm.s32 $0x2;
	v6 =	vadd.s32 s25, v1;
	v7 =	vld [tilespmem:s30+$0xFFFFFF20]  }
0x30: {  	s4 =	simm.s32 $0x3;
	v8 =	vadd.s32 s2, v1;
	v9 =	vld [tilespmem:s30+$0xFFFFFF40]  }
0x31: {  	s6 =	simm.s32 $0x4;
	v10 =	vadd.s32 s4, v1;
	v11 =	vld [tilespmem:s30+$0xFFFFFF60]  }
0x32: {  	s7 =	simm.s32 $0x5;
	v12 =	vadd.s32 s6, v1;
	v13 =	vld [tilespmem:s30+$0xFFFFFF80]  }
0x33: {  	s8 =	simm.s32 $0x6;
	v14 =	vadd.s32 s1, v2;
	v15 =	vadd.s32 s7, v1;
	v16 =	vld [tilespmem:s30+$0xFFFFFFA0];
	[tilespmem:v4+s18+$0x0] =	vst.idx.msk $0xffff, v5  }
0x34: {  	v4 =	vand.u32 $0x7FF8, v14;
	[tilespmem:v6+s18+$0x0] =	vst.idx.msk $0xffff, v7;
	v6 =	vadd.s32 s8, v1;
	v7 =	vld [tilespmem:s30+$0xFFFFFFC0]  }
0x35: {  	s9 =	simm.s32 $0x7;
	[tilespmem:v8+s18+$0x0] =	vst.idx.msk $0xffff, v9;
	v5 =	vld [tilespmem:s30+$0x10];
	v4 =	vor.u32 v3, v4  }
0x36: {  	s10 =	simm.s32 $0x9;
	[tilespmem:v10+s18+$0x0] =	vst.idx.msk $0xffff, v11;
	v8 =	vadd.s32 s9, v1;
	v9 =	vld [tilespmem:s30+$0xFFFFFFE0]  }
0x37: {  	s12 =	simm.s32 $0xA;
	[tilespmem:v12+s18+$0x0] =	vst.idx.msk $0xffff, v13;
	v10 =	vadd.s32 s10, v1;
	v11 =	vld [tilespmem:s30+$0x20]  }
0x38: {  	s29 =	simm.s32 $0x0;
	[tilespmem:v15+s18+$0x0] =	vst.idx.msk $0xffff, v16;
	v12 =	vadd.s32 s12, v1;
	v13 =	vld [tilespmem:s30+$0x40]  }
0x39: {  	s15 =	simm.s32 $0xB;
	v14 =	vld [tilespmem:s30+$0xFFFFFF00];
	v15 =	vor.u32 s29, v1;
	[tilespmem:v6+s18+$0x0] =	vst.idx.msk $0xffff, v7  }
0x3a: {  	s16 =	simm.s32 $0xC;
	[tilespmem:v4+s18+$0x0] =	vst.idx.msk $0xffff, v5;
	v4 =	vadd.s32 s15, v1;
	v5 =	vld [tilespmem:s30+$0x60]  }
0x3b: {  	s20 =	simm.s32 $0xD;
	v6 =	vadd.s32 s16, v1;
	v7 =	vld [tilespmem:s30+$0x80];
	[tilespmem:v8+s18+$0x0] =	vst.idx.msk $0xffff, v9  }
0x3c: {  	s1 =	simm.s32 $0xF;
	v8 =	vadd.s32 s20, v1;
	v9 =	vld [tilespmem:s30+$0xA0];
	[tilespmem:v10+s18+$0x0] =	vst.idx.msk $0xffff, v11  }
0x3d: {  	s23 =	simm.s32 $0xE;
	[tilespmem:v12+s18+$0x0] =	vst.idx.msk $0xffff, v13;
	v12 =	vadd.s32 s1, v1;
	v13 =	vld [tilespmem:s30+$0xE0]  }
0x3e: {  	v10 =	vadd.s32 s23, v1;
	v11 =	vld [tilespmem:s30+$0xC0];
	[tilespmem:v15+s18+$0x0] =	vst.idx.msk $0xffff, v14  }
0x3f: {  	[tilespmem:v4+s18+$0x0] =	vst.idx.msk $0xffff, v5;
	v4 =	vadd.s32 s25, v2;
	v5 =	vld [tilespmem:s30+$0xFFFFFF30]  }
0x40: {  	[tilespmem:v6+s18+$0x0] =	vst.idx.msk $0xffff, v7;
	v6 =	vadd.s32 s2, v2;
	v7 =	vld [tilespmem:s30+$0xFFFFFF50]  }
0x41: {  	[tilespmem:v8+s18+$0x0] =	vst.idx.msk $0xffff, v9;
	v8 =	vadd.s32 s4, v2;
	v9 =	vld [tilespmem:s30+$0xFFFFFF70]  }
0x42: {  	v14 =	vld [tilespmem:s30+$0xFFFFFFB0];
	[tilespmem:v12+s18+$0x0] =	vst.idx.msk $0xffff, v13;
	v13 =	vadd.s32 s7, v2  }
0x43: {  	[tilespmem:v10+s18+$0x0] =	vst.idx.msk $0xffff, v11;
	v10 =	vadd.s32 s6, v2;
	v11 =	vld [tilespmem:s30+$0xFFFFFF90]  }
0x44: {  	[tilespmem:v4+s18+$0x0] =	vst.idx.msk $0xffff, v5;
	v4 =	vadd.s32 s8, v2;
	v5 =	vld [tilespmem:s30+$0xFFFFFFD0]  }
0x45: {  	v15 =	vld [tilespmem:s30+$0xFFFFFFF0];
	[tilespmem:v6+s18+$0x0] =	vst.idx.msk $0xffff, v7;
	v6 =	vadd.s32 s9, v2  }
0x46: {  	v63 =	vld [tilespmem:s30+$0x30];
	[tilespmem:v8+s18+$0x0] =	vst.idx.msk $0xffff, v9;
	v8 =	vadd.s32 s10, v2  }
0x47: {  	v12 =	vld [tilespmem:s30+$0x50];
	[tilespmem:v13+s18+$0x0] =	vst.idx.msk $0xffff, v14;
	v13 =	vadd.s32 s12, v2  }
0x48: {  	[tilespmem:v10+s18+$0x0] =	vst.idx.msk $0xffff, v11;
	v9 =	vld [tilespmem:s30+$0x70];
	v10 =	vadd.s32 s15, v2  }
0x49: {  	v7 =	vadd.s32 s16, v2;
	[tilespmem:v4+s18+$0x0] =	vst.idx.msk $0xffff, v5;
	v5 =	vld [tilespmem:s30+$0x90]  }
0x4a: {  	s28 =	sshll.u32 s26, $0xF;
	[tilespmem:v6+s18+$0x0] =	vst.idx.msk $0xffff, v15;
	v6 =	vld [tilespmem:s30+$0xB0];
	v4 =	vadd.s32 s20, v2  }
0x4b: {  	s31 =	simm.s32 $0x10;
	s0 =	simm.s32 $0x20;
	v14 =	vadd.s32 s29, v2;
	v11 =	vld [tilespmem:s30+$0xD0];
	s8 =	simm.s32 $0x18;
	[tilespmem:v8+s18+$0x0] =	vst.idx.msk $0xffff, v63;
	v8 =	vadd.s32 s23, v2  }
.LBB2_3:
0x4c: {  	p1 =	slt.u32 s0, $0x1F0;
	v15 =	vadd.s32 s8, v1;
	v14 =	vand.u32 $0x7FF8, v14;
	[tilespmem:v13+s18+$0x0] =	vst.idx.msk $0xffff, v12;
	v12 =	vadd.s32 s1, v2;
	v13 =	vld [tilespmem:s30+$0xF0]  }
0x4d: {  	v15 =	vand.u32 $0x3FF8, v15;
	v16 =	vld [tilespmem:s30+$0xFFFFFF10];
	v14 =	vor.u32 v3, v14;
	[tilespmem:v10+s18+$0x0] =	vst.idx.msk $0xffff, v9;
	s30 =	sadd.s32 $0x200, s30  }
0x4e: {  	s7 =	sadd.s32 $0x1, s31;
	v9 =	vld [tilespmem:s30+$0x0];
	v10 =	vor.u32 v3, v15;
	[tilespmem:v7+s18+$0x0] =	vst.idx.msk $0xffff, v5  }
0x4f: {  	s9 =	sadd.s32 $0x2, s31;
	v5 =	vadd.s32 s7, v1;
	v7 =	vld [tilespmem:s30+$0xFFFFFF20];
	[tilespmem:v4+s18+$0x0] =	vst.idx.msk $0xffff, v6  }
0x50: {  	s12 =	sadd.s32 $0x3, s31;
	v4 =	vadd.s32 s9, v1;
	v6 =	vld [tilespmem:s30+$0xFFFFFF40];
	[tilespmem:v8+s18+$0x0] =	vst.idx.msk $0xffff, v11  }
0x51: {  	s15 =	sadd.s32 $0x4, s31;
	v8 =	vadd.s32 s12, v1;
	v11 =	vld [tilespmem:s30+$0xFFFFFF60];
	[tilespmem:v12+s18+$0x0] =	vst.idx.msk $0xffff, v13  }
0x52: {  	s16 =	sadd.s32 $0x5, s31;
	v15 =	vadd.s32 s8, v2;
	v12 =	vadd.s32 s15, v1;
	v13 =	vld [tilespmem:s30+$0xFFFFFF80];
	[tilespmem:v14+s18+$0x0] =	vst.idx.msk $0xffff, v16  }
0x53: {  	v14 =	vadd.s32 s16, v1;
	v16 =	vld [tilespmem:s30+$0xFFFFFFA0];
	[tilespmem:v10+s18+$0x0] =	vst.idx.msk $0xffff, v9;
	v9 =	vand.u32 $0x7FF8, v15  }
0x54: {  	s2 =	sadd.s32 $0x6, s31;
	[tilespmem:v5+s18+$0x0] =	vst.idx.msk $0xffff, v7;
	v5 =	vld [tilespmem:s30+$0x10];
	v7 =	vor.u32 v3, v9  }
0x55: {  	s8 =	sadd.s32 $0x7, s31;
	[tilespmem:v4+s18+$0x0] =	vst.idx.msk $0xffff, v6;
	v4 =	vadd.s32 s2, v1;
	v6 =	vld [tilespmem:s30+$0xFFFFFFC0]  }
0x56: {  	s20 =	sadd.s32 $0x9, s31;
	[tilespmem:v8+s18+$0x0] =	vst.idx.msk $0xffff, v11;
	v8 =	vadd.s32 s8, v1;
	v9 =	vld [tilespmem:s30+$0xFFFFFFE0]  }
0x57: {  	s23 =	sadd.s32 $0xA, s31;
	v10 =	vadd.s32 s20, v1;
	[tilespmem:v12+s18+$0x0] =	vst.idx.msk $0xffff, v13;
	v11 =	vld [tilespmem:s30+$0x20]  }
0x58: {  	s24 =	sadd.s32 $0xB, s31;
	v12 =	vadd.s32 s23, v1;
	[tilespmem:v14+s18+$0x0] =	vst.idx.msk $0xffff, v16;
	v13 =	vld [tilespmem:s30+$0x40]  }
0x59: {  	s25 =	sadd.s32 $0xC, s31;
	[tilespmem:v7+s18+$0x0] =	vst.idx.msk $0xffff, v5;
	v5 =	vadd.s32 s24, v1;
	v7 =	vld [tilespmem:s30+$0x60]  }
0x5a: {  	s6 =	sadd.s32 $0xD, s31;
	[tilespmem:v4+s18+$0x0] =	vst.idx.msk $0xffff, v6;
	v4 =	vadd.s32 s25, v1;
	v6 =	vld [tilespmem:s30+$0x80]  }
0x5b: {  	s10 =	sadd.s32 $0xE, s31;
	[tilespmem:v8+s18+$0x0] =	vst.idx.msk $0xffff, v9;
	v8 =	vadd.s32 s6, v1;
	v9 =	vld [tilespmem:s30+$0xA0]  }
0x5c: {  	s1 =	sadd.s32 $0xF, s31;
	[tilespmem:v10+s18+$0x0] =	vst.idx.msk $0xffff, v11;
	v10 =	vadd.s32 s10, v1;
	v11 =	vld [tilespmem:s30+$0xC0]  }
0x5d: {  	[tilespmem:v12+s18+$0x0] =	vst.idx.msk $0xffff, v13;
	v12 =	vadd.s32 s1, v1;
	v13 =	vld [tilespmem:s30+$0xE0]  }
0x5e: {  	v15 =	vor.u32 s31, v1;
	v14 =	vld [tilespmem:s30+$0xFFFFFF00];
	[tilespmem:v5+s18+$0x0] =	vst.idx.msk $0xffff, v7  }
0x5f: {  	v5 =	vadd.s32 s7, v2;
	v7 =	vld [tilespmem:s30+$0xFFFFFF30];
	[tilespmem:v4+s18+$0x0] =	vst.idx.msk $0xffff, v6  }
0x60: {  	v4 =	vadd.s32 s9, v2;
	v6 =	vld [tilespmem:s30+$0xFFFFFF50];
	[tilespmem:v8+s18+$0x0] =	vst.idx.msk $0xffff, v9  }
0x61: {  	v8 =	vadd.s32 s12, v2;
	v9 =	vld [tilespmem:s30+$0xFFFFFF70];
	[tilespmem:v10+s18+$0x0] =	vst.idx.msk $0xffff, v11  }
0x62: {  	v10 =	vadd.s32 s15, v2;
	v11 =	vld [tilespmem:s30+$0xFFFFFF90];
	[tilespmem:v12+s18+$0x0] =	vst.idx.msk $0xffff, v13  }
0x63: {  	[tilespmem:v15+s18+$0x0] =	vst.idx.msk $0xffff, v14;
	v14 =	vadd.s32 s16, v2;
	v15 =	vld [tilespmem:s30+$0xFFFFFFB0]  }
0x64: {  	[tilespmem:v5+s18+$0x0] =	vst.idx.msk $0xffff, v7;
	v5 =	vadd.s32 s2, v2;
	v7 =	vld [tilespmem:s30+$0xFFFFFFD0]  }
0x65: {  	[tilespmem:v4+s18+$0x0] =	vst.idx.msk $0xffff, v6;
	v4 =	vadd.s32 s8, v2;
	v6 =	vld [tilespmem:s30+$0xFFFFFFF0]  }
0x66: {  	[tilespmem:v8+s18+$0x0] =	vst.idx.msk $0xffff, v9;
	v8 =	vadd.s32 s20, v2;
	v16 =	vld [tilespmem:s30+$0x30]  }
.Ltmp2:
0x67: {  	v13 =	vadd.s32 s23, v2;
	[tilespmem:v10+s18+$0x0] =	vst.idx.msk $0xffff, v11;
	v12 =	vld [tilespmem:s30+$0x50];
	(pc) =	sbr.rel @p1 .LBB2_3-.Ltmp2, $4  }
0x68: {  	v10 =	vadd.s32 s24, v2;
	[tilespmem:v14+s18+$0x0] =	vst.idx.msk $0xffff, v15;
	v9 =	vld [tilespmem:s30+$0x70]  }
0x69: {  	[tilespmem:v5+s18+$0x0] =	vst.idx.msk $0xffff, v7;
	v7 =	vadd.s32 s25, v2;
	v5 =	vld [tilespmem:s30+$0x90]  }
0x6a: {  	[tilespmem:v4+s18+$0x0] =	vst.idx.msk $0xffff, v6;
	v4 =	vadd.s32 s6, v2;
	v6 =	vld [tilespmem:s30+$0xB0]  }
0x6b: {  	s8 =	sadd.s32 $0x8, s0;
	v14 =	vadd.s32 s31, v2;
	s31 =	smov.u32 s0;
	s0 =	sadd.s32 $0x10, s0;
	[tilespmem:v8+s18+$0x0] =	vst.idx.msk $0xffff, v16;
	v8 =	vadd.s32 s10, v2;
	v11 =	vld [tilespmem:s30+$0xD0]  }
0x6c: {  	_ =	sdelay $0x3  }
0x6d: {  	v14 =	vand.u32 $0x7FF8, v14;
	[tilespmem:v13+s18+$0x0] =	vst.idx.msk $0xffff, v12;
	v45 =	vadd.s32 s1, v2;
	v46 =	vld [tilespmem:s30+$0xF0]  }
0x6e: {  	v15 =	vadd.s32 s8, v1;
	v16 =	vld [tilespmem:s30+$0xFFFFFF10];
	s0 =	sadd.s32 $0x200, s30;
	s6 =	sadd.s32 $0x4, s31;
	v14 =	vor.u32 v3, v14;
	[tilespmem:v10+s18+$0x0] =	vst.idx.msk $0xffff, v9  }
0x6f: {  	v15 =	vand.u32 $0x3FF8, v15;
	v47 =	vadd.s32 s6, v1;
	v48 =	vld [tilespmem:s0+$0xFFFFFF80];
	[tilespmem:v7+s18+$0x0] =	vst.idx.msk $0xffff, v5  }
0x70: {  	s25 =	sadd.s32 $0x1, s31;
	v9 =	vld [tilespmem:s0+$0x0];
	v10 =	vor.u32 v3, v15;
	[tilespmem:v4+s18+$0x0] =	vst.idx.msk $0xffff, v6  }
0x71: {  	s7 =	sadd.s32 $0x5, s31;
	v5 =	vadd.s32 s25, v1;
	v7 =	vld [tilespmem:s0+$0xFFFFFF20];
	[tilespmem:v8+s18+$0x0] =	vst.idx.msk $0xffff, v11  }
0x72: {  	s2 =	sadd.s32 $0x2, s31;
	v50 =	vadd.s32 s7, v1;
	v51 =	vld [tilespmem:s0+$0xFFFFFFA0];
	[tilespmem:v45+s18+$0x0] =	vst.idx.msk $0xffff, v46  }
0x73: {  	s4 =	sadd.s32 $0x3, s31;
	v4 =	vadd.s32 s2, v1;
	v6 =	vld [tilespmem:s0+$0xFFFFFF40];
	[tilespmem:v14+s18+$0x0] =	vst.idx.msk $0xffff, v16  }
0x74: {  	v49 =	vadd.s32 s8, v2;
	s12 =	sadd.s32 $0xA, s31;
	v8 =	vadd.s32 s4, v1;
	v11 =	vld [tilespmem:s0+$0xFFFFFF60];
	[tilespmem:v47+s18+$0x0] =	vst.idx.msk $0xffff, v48  }
0x75: {  	v52 =	vadd.s32 s12, v1;
	v53 =	vld [tilespmem:s0+$0x40];
	[tilespmem:v10+s18+$0x0] =	vst.idx.msk $0xffff, v9;
	v9 =	vand.u32 $0x7FF8, v49  }
0x76: {  	s24 =	sadd.s32 $0xF, s31;
	[tilespmem:v5+s18+$0x0] =	vst.idx.msk $0xffff, v7;
	v5 =	vld [tilespmem:s0+$0x10];
	v7 =	vor.u32 v3, v9  }
0x77: {  	s3 =	sadd.s32 $0x6, s31;
	v54 =	vadd.s32 s24, v1;
	v55 =	vld [tilespmem:s0+$0xE0];
	[tilespmem:v50+s18+$0x0] =	vst.idx.msk $0xffff, v51  }
0x78: {  	s9 =	sadd.s32 $0x7, s31;
	[tilespmem:v4+s18+$0x0] =	vst.idx.msk $0xffff, v6;
	v4 =	vadd.s32 s3, v1;
	v6 =	vld [tilespmem:s0+$0xFFFFFFC0]  }
0x79: {  	s10 =	sadd.s32 $0x9, s31;
	v9 =	vld [tilespmem:s0+$0xFFFFFFE0];
	[tilespmem:v8+s18+$0x0] =	vst.idx.msk $0xffff, v11;
	v8 =	vadd.s32 s9, v1  }
0x7a: {  	s15 =	sadd.s32 $0xB, s31;
	[tilespmem:v52+s18+$0x0] =	vst.idx.msk $0xffff, v53;
	v10 =	vadd.s32 s10, v1;
	v11 =	vld [tilespmem:s0+$0x20]  }
0x7b: {  	[tilespmem:v7+s18+$0x0] =	vst.idx.msk $0xffff, v5;
	v5 =	vadd.s32 s15, v1;
	v7 =	vld [tilespmem:s0+$0x60]  }
0x7c: {  	s16 =	sadd.s32 $0xC, s31;
	v57 =	vor.u32 s31, v1;
	v56 =	vld [tilespmem:s0+$0xFFFFFF00];
	[tilespmem:v54+s18+$0x0] =	vst.idx.msk $0xffff, v55  }
0x7d: {  	s20 =	sadd.s32 $0xD, s31;
	[tilespmem:v4+s18+$0x0] =	vst.idx.msk $0xffff, v6;
	v4 =	vadd.s32 s16, v1;
	v6 =	vld [tilespmem:s0+$0x80]  }
0x7e: {  	s23 =	sadd.s32 $0xE, s31;
	[tilespmem:v8+s18+$0x0] =	vst.idx.msk $0xffff, v9;
	v8 =	vadd.s32 s20, v1;
	v9 =	vld [tilespmem:s0+$0xA0]  }
0x7f: {  	[tilespmem:v10+s18+$0x0] =	vst.idx.msk $0xffff, v11;
	v10 =	vadd.s32 s23, v1;
	v11 =	vld [tilespmem:s0+$0xC0]  }
0x80: {  	[tilespmem:v5+s18+$0x0] =	vst.idx.msk $0xffff, v7;
	v5 =	vadd.s32 s25, v2;
	v7 =	vld [tilespmem:s0+$0xFFFFFF30]  }
0x81: {  	v58 =	vadd.s32 s7, v2;
	[tilespmem:v57+s18+$0x0] =	vst.idx.msk $0xffff, v56;
	v59 =	vld [tilespmem:s0+$0xFFFFFFB0]  }
0x82: {  	[tilespmem:v4+s18+$0x0] =	vst.idx.msk $0xffff, v6;
	v4 =	vadd.s32 s2, v2;
	v6 =	vld [tilespmem:s0+$0xFFFFFF50]  }
0x83: {  	[tilespmem:v8+s18+$0x0] =	vst.idx.msk $0xffff, v9;
	v8 =	vadd.s32 s4, v2;
	v9 =	vld [tilespmem:s0+$0xFFFFFF70]  }
0x84: {  	v62 =	vadd.s32 s31, v2;
	[tilespmem:v10+s18+$0x0] =	vst.idx.msk $0xffff, v11;
	v10 =	vadd.s32 s6, v2;
	v11 =	vld [tilespmem:s0+$0xFFFFFF90]  }
0x85: {  	v14 =	vand.u32 $0x7FF8, v62;
	[tilespmem:v5+s18+$0x0] =	vst.idx.msk $0xffff, v7;
	v5 =	vadd.s32 s3, v2;
	v7 =	vld [tilespmem:s0+$0xFFFFFFD0]  }
0x86: {  	v15 =	vld [tilespmem:s0+$0xFFFFFF10];
	v14 =	vor.u32 v3, v14;
	[tilespmem:v58+s18+$0x0] =	vst.idx.msk $0xffff, v59  }
0x87: {  	[tilespmem:v4+s18+$0x0] =	vst.idx.msk $0xffff, v6;
	v4 =	vadd.s32 s9, v2;
	v6 =	vld [tilespmem:s0+$0xFFFFFFF0]  }
0x88: {  	[tilespmem:v8+s18+$0x0] =	vst.idx.msk $0xffff, v9;
	v8 =	vadd.s32 s10, v2;
	v9 =	vld [tilespmem:s0+$0x30]  }
0x89: {  	[tilespmem:v10+s18+$0x0] =	vst.idx.msk $0xffff, v11;
	v10 =	vadd.s32 s12, v2;
	v11 =	vld [tilespmem:s0+$0x50]  }
0x8a: {  	[tilespmem:v5+s18+$0x0] =	vst.idx.msk $0xffff, v7;
	v5 =	vadd.s32 s16, v2;
	v7 =	vld [tilespmem:s0+$0x90]  }
0x8b: {  	s8 =	simm.s32 $0x0;
	v60 =	vadd.s32 s15, v2;
	[tilespmem:v14+s18+$0x0] =	vst.idx.msk $0xffff, v15;
	v61 =	vld [tilespmem:s0+$0x70]  }
0x8c: {  	s9 =	smul.u32 $0x201, s8;
	[tilespmem:v4+s18+$0x0] =	vst.idx.msk $0xffff, v6;
	v4 =	vadd.s32 s20, v2;
	v6 =	vld [tilespmem:s0+$0xB0]  }
0x8d: {  	s29 =	sand.u32 $0x180, s29;
	[tilespmem:v8+s18+$0x0] =	vst.idx.msk $0xffff, v9;
	v8 =	vadd.s32 s23, v2;
	v9 =	vld [tilespmem:s0+$0xD0]  }
0x8e: {  	s30 =	sor.u32 $0x30, s29;
	s10 =	sadd.s32 s29, s9;
	[tilespmem:v10+s18+$0x0] =	vst.idx.msk $0xffff, v11;
	v10 =	vadd.s32 s24, v2;
	v11 =	vld [tilespmem:s0+$0xF0]  }
0x8f: {  	s12 =	sadd.s32 s9, s30;
	[tilespmem:v5+s18+$0x0] =	vst.idx.msk $0xffff, v7;
	v5 =	vadd.s32 s10, v0  }
0x90: {  	[tilespmem:v60+s18+$0x0] =	vst.idx.msk $0xffff, v61;
	v63 =	vadd.s32 s12, v0  }
0x91: {  	s11 =	simm.s32 $0x0;
	[tilespmem:v4+s18+$0x0] =	vst.idx.msk $0xffff, v6  }
0x92: {  	p2 =	por $0x1, $0x1;
	s1 =	sor.u32 $0x60, s29;
	s15 =	sand.u32 $0x3FFFFE00, s11;
	[tilespmem:v8+s18+$0x0] =	vst.idx.msk $0xffff, v9  }
.Ltmp3:
0x93: {  	s12 =	sor.u32 $0x20, s29;
	s16 =	sor.u32 $0x10, s29;
	[tilespmem:v10+s18+$0x0] =	vst.idx.msk $0xffff, v11;
	(pc) =	sbr.rel @!p2 .LBB2_5-.Ltmp3, $4  }
0x94: {  	s20 =	sor.u32 $0x50, s29;
	s0 =	sor.u32 $0x40, s29;
	s19 =	sadd.s32 s9, s16;
	v4 =	vld.idx.msk [tilespmem:v5+s18+$0x0], $0xffff  }
0x95: {  	s24 =	sadd.s32 s9, s20;
	s23 =	sor.u32 $0x70, s29;
	s22 =	sadd.s32 s9, s0;
	v5 =	vld.idx.msk [tilespmem:v63+s18+$0x0], $0xffff  }
0x96: {  	s31 =	sadd.s32 s9, s1;
	s25 =	sadd.s32 s9, s12;
	s2 =	sadd.s32 s9, s23;
	v7 =	vadd.s32 s19, v0;
	v6 =	vadd.s32 s24, v0;
	v8 =	vadd.s32 s22, v0  }
0x97: {  	p1 =	por $0x0, $0x0;
	s9 =	sadd.s32 $0xC420, s15;
	v11 =	vadd.s32 s25, v0;
	v9 =	vadd.s32 s31, v0;
	v10 =	vadd.s32 s2, v0;
	s2 =	simm.s32 $0x80  }
0x98: {  	_ =	sdelay $0x2  }
0x99: {  	s31 =	simm.s32 $0x8  }
0x9a: {  	s4 =	sadd.s32 s12, s9;
	v8 =	vld.idx.msk [tilespmem:v8+s18+$0x0], $0xffff;
	s6 =	simm.s32 $0x0;
	s10 =	sor.u32 s0, s9  }
0x9b: {  	s8 =	simm.s32 $0x80;
	v11 =	vld.idx.msk [tilespmem:v11+s18+$0x0], $0xffff;
	s11 =	sadd.s32 s1, s9;
	s6 =	smul.u32 $0x201, s6  }
0x9c: {  	s24 =	sand.u32 $0x180, s2;
	v9 =	vld.idx.msk [tilespmem:v9+s18+$0x0], $0xffff;
	p2 =	por $0x1, $0x1;
	p1 =	por $0x1, $0x1  }
0x9d: {  	v14 =	vld.idx.msk [tilespmem:v7+s18+$0x0], $0xffff;
	s2 =	sand.u32 $0x3FFFFE00, s8;
	s25 =	sor.u32 $0x30, s24;
	s12 =	sadd.s32 s24, s6  }
0x9e: {  	v10 =	vld.idx.msk [tilespmem:v10+s18+$0x0], $0xffff;
	s8 =	sor.u32 $0x10, s24;
	s0 =	sor.u32 $0x40, s24;
	s15 =	sadd.s32 s6, s25;
	v12 =	vadd.s32 s12, v0  }
0x9f: {  	v13 =	vld.idx.msk [tilespmem:v6+s18+$0x0], $0xffff;
	s7 =	sor.u32 $0x50, s24;
	s1 =	sor.u32 $0x60, s24;
	s19 =	sadd.s32 s6, s8;
	v15 =	vadd.s32 s15, v0;
	[tilespmem:s10+$0x0] =	vst v8  }
.Ltmp4:
0xa0: {  	s3 =	sadd.s32 s6, s0;
	s12 =	sor.u32 $0x20, s24;
	[tilespmem:s4+$0x0] =	vst v11;
	(pc) =	sbr.rel @!p2 .LBB2_7-.Ltmp4, $4  }
0xa1: {  	s22 =	sadd.s32 s6, s7;
	v7 =	vadd.s32 s19, v0;
	s19 =	sor.u32 s16, s9;
	s4 =	sadd.s32 s6, s12;
	[tilespmem:s11+$0x0] =	vst v9;
	v8 =	vadd.s32 s3, v0  }
0xa2: {  	s15 =	sor.u32 $0x70, s24;
	s10 =	sadd.s32 s6, s1;
	s11 =	sadd.s32 s23, s9;
	[tilespmem:s19+$0x0] =	vst v14;
	v11 =	vadd.s32 s4, v0  }
0xa3: {  	s16 =	sadd.s32 $0xC420, s2;
	s3 =	sadd.s32 s6, s15;
	s23 =	sor.u32 s20, s9;
	[tilespmem:s11+$0x0] =	vst v10;
	v9 =	vadd.s32 s10, v0;
	v12 =	vld.idx.msk [tilespmem:v12+s18+$0x0], $0xffff  }
0xa4: {  	v6 =	vadd.s32 s22, v0;
	s20 =	simm.s32 $0x100;
	s6 =	sor.u32 s29, s9;
	[tilespmem:s23+$0x0] =	vst v13;
	v10 =	vadd.s32 s3, v0;
	s4 =	sadd.s32 s30, s9;
	v13 =	vld.idx.msk [tilespmem:v15+s18+$0x0], $0xffff  }
.LBB2_8:
0xa5: {  	s31 =	sadd.s32 $0x8, s31;
	s3 =	sadd.s32 s12, s16;
	s9 =	sor.u32 s0, s16  }
0xa6: {  	v14 =	vld.idx.msk [tilespmem:v8+s18+$0x0], $0xffff;
	[tilespmem:s6+$0x0] =	vst v4;
	s6 =	smov.u32 s24;
	s2 =	smov.u32 s25;
	s11 =	sadd.s32 s1, s16  }
0xa7: {  	s24 =	sand.u32 $0x180, s20;
	s0 =	sshrl.u32 s31, $0x5;
	s10 =	sshll.u32 s31, $0x4;
	v11 =	vld.idx.msk [tilespmem:v11+s18+$0x0], $0xffff;
	[tilespmem:s4+$0x0] =	vst v5  }
0xa8: {  	s19 =	sor.u32 $0x10, s24;
	s4 =	smul.u32 $0x201, s0;
	s10 =	sand.u32 $0x3FFFFE00, s10;
	v15 =	vld.idx.msk [tilespmem:v9+s18+$0x0], $0xffff  }
0xa9: {  	s25 =	sor.u32 $0x30, s24;
	s22 =	sor.u32 $0x50, s24;
	s0 =	sor.u32 $0x40, s24;
	v10 =	vld.idx.msk [tilespmem:v10+s18+$0x0], $0xffff  }
0xaa: {  	p2 =	slt.u32 s31, $0x3F8;
	v4 =	vmov v12;
	s1 =	sadd.s32 s24, s4;
	s12 =	sadd.s32 s4, s19;
	v16 =	vld.idx.msk [tilespmem:v6+s18+$0x0], $0xffff  }
0xab: {  	s23 =	sadd.s32 s4, s0;
	s29 =	sadd.s32 s4, s22;
	v5 =	vmov v13;
	v12 =	vadd.s32 s1, v0;
	s1 =	sadd.s32 s4, s25;
	v17 =	vld.idx.msk [tilespmem:v7+s18+$0x0], $0xffff;
	v7 =	vadd.s32 s12, v0  }
0xac: {  	s12 =	sor.u32 $0x20, s24;
	v8 =	vadd.s32 s23, v0;
	v6 =	vadd.s32 s29, v0;
	s23 =	sor.u32 $0x70, s24;
	v13 =	vadd.s32 s1, v0;
	s1 =	sor.u32 $0x60, s24;
	[tilespmem:s9+$0x0] =	vst v14  }
.Ltmp5:
0xad: {  	s9 =	sadd.s32 s4, s12;
	s29 =	sadd.s32 s4, s1;
	[tilespmem:s3+$0x0] =	vst v11;
	(pc) =	sbr.rel @p2 .LBB2_8-.Ltmp5, $4  }
0xae: {  	v11 =	vadd.s32 s9, v0;
	s3 =	sadd.s32 s4, s23;
	s4 =	sor.u32 s8, s16;
	s8 =	sadd.s32 s15, s16;
	v9 =	vadd.s32 s29, v0;
	[tilespmem:s11+$0x0] =	vst v15  }
0xaf: {  	s7 =	sor.u32 s7, s16;
	[tilespmem:s8+$0x0] =	vst v10;
	s8 =	smov.u32 s19  }
0xb0: {  	s20 =	sadd.s32 $0x80, s20;
	s15 =	smov.u32 s23;
	v10 =	vadd.s32 s3, v0;
	v12 =	vld.idx.msk [tilespmem:v12+s18+$0x0], $0xffff;
	[tilespmem:s7+$0x0] =	vst v16;
	s7 =	smov.u32 s22  }
0xb1: {  	s6 =	sor.u32 s6, s16;
	v13 =	vld.idx.msk [tilespmem:v13+s18+$0x0], $0xffff;
	[tilespmem:s4+$0x0] =	vst v17;
	s4 =	sadd.s32 s2, s16;
	s16 =	sadd.s32 $0xC420, s10  }
0xb2: {  	_ =	sdelay $0x2  }
0xb3: {  	s9 =	smov.u32 s16;
	s29 =	smov.u32 s24;
	s30 =	smov.u32 s25  }
0xb4: {  	v14 =	vmovc v4;
	v15 =	vmov v5;
	s16 =	smov.u32 s8;
	s23 =	smov.u32 s15;
	s20 =	smov.u32 s7;
	v4 =	vmov v12;
	v5 =	vmov v13  }
.LBB2_10:
0xb5: {  	_ =	sdelay $0x3  }
0xb6: {  	v8 =	vld.idx.msk [tilespmem:v8+s18+$0x0], $0xffff  }
0xb7: {  	v11 =	vld.idx.msk [tilespmem:v11+s18+$0x0], $0xffff  }
0xb8: {  	v9 =	vld.idx.msk [tilespmem:v9+s18+$0x0], $0xffff  }
0xb9: {  	[tilespmem:s6+$0x0] =	vst @p1 v14;
	v10 =	vld.idx.msk [tilespmem:v10+s18+$0x0], $0xffff  }
0xba: {  	s0 =	sor.u32 s0, s9;
	[tilespmem:s4+$0x0] =	vst @p1 v15;
	v6 =	vld.idx.msk [tilespmem:v6+s18+$0x0], $0xffff  }
0xbb: {  	s2 =	sadd.s32 s12, s9;
	v7 =	vld.idx.msk [tilespmem:v7+s18+$0x0], $0xffff;
	[tilespmem:s0+$0x0] =	vst v8  }
0xbc: {  	s12 =	sadd.s32 s1, s9;
	[tilespmem:s2+$0x0] =	vst v11  }
0xbd: {  	s15 =	sadd.s32 s23, s9;
	[tilespmem:s12+$0x0] =	vst v9  }
0xbe: {  	s19 =	sor.u32 s20, s9;
	[tilespmem:s15+$0x0] =	vst v10  }
0xbf: {  	s20 =	sor.u32 s16, s9;
	[tilespmem:s19+$0x0] =	vst v6  }
0xc0: {  	s22 =	sshll.u32 s26, $0x14;
	s23 =	sor.u32 s29, s9;
	p1 =	sne.s32 s26, $0x18;
	[tilespmem:s20+$0x0] =	vst v7  }
.Ltmp6:
0xc1: {  	s24 =	sadd.s32 s30, s9;
	s0 =	rddreg [dreg:$0x3];
	[tilespmem:s23+$0x0] =	vst v4;
	(pc) =	sbr.rel @p1 .LBB2_12-.Ltmp6, $4  }
0xc2: {  	[tilespmem:s24+$0x0] =	vst v5;
	s0 =	sor.u32 s0, s22  }
0xc3: {  	s25 =	rddreg [dreg:$0x4];
	s29 =	sshrl.u32 s0, $0x3  }
0xc4: {  	s30 =	simm.s32 $0x4000;
	s31 =	simm.s32 $0xC420;
	s0 =	sadd.s32 s25, s29  }
0xc5: {  	[hbm4b:s0+s14] =	stream.strided.scatter [tilespmem:s31], [sflag:$0x3], $0x4000, s30, s14, $0x38;
	[tilespmem:$0x14420] =	vst v63  }
.Ltmp7:
0xc6: {  	(pc) =	sbr.rel .LBB2_13-.Ltmp7, $4  }
0xc7: {  	_ = 	snop  }
0xc8: {  	_ =	swait.ge [sflag:s21], $0x4000  }
0xc9: {  	[sflag:s21] =	ssyncset.done $0x0  }
0xca: {  	[sflag:s21] =	ssyncadd.s32 $0xFFFFC000  }
.LBB2_12:
0xcb: {  	s0 =	rddreg [dreg:$0x7]  }
0xcc: {  	s0 =	sadd.s32 s0, s28  }
0xcd: {  	s1 =	rddreg [dreg:$0x1];
	s0 =	sshrl.u32 s0, $0x3  }
0xce: {  	s30 =	simm.s32 $0x0;
	s0 =	sadd.s32 s1, s0  }
0xcf: {  	[tilespmem:s30], [sflag:$0x5] =	stream.linear.gather [hbm4b:s0+s30], $0x200, $0x38;
	[tilespmem:$0x14420] =	vst v63  }
0xd0: {  	_ =	swait.ge [sflag:s13], $0x200  }
0xd1: {  	[sflag:s13] =	ssyncset.done $0x0  }
.Ltmp8:
0xd2: {  	s31 =	simm.s32 $0x400;
	[sflag:s13] =	ssyncadd.s32 $0xFFFFFE00;
	(pc) =	sbr.rel @p0 .LBB2_14-.Ltmp8, $4  }
0xd3: {  	[tilespmem:s31], [sflag:$0x1] =	stream.indirect.gather [hbm4b:s5+s14], $0x20, s30, s14, $0xb8;
	[tilespmem:$0x14420] =	vst v63  }
0xd4: {  	_ =	swait.ge [sflag:s21], $0x4000  }
0xd5: {  	[sflag:s21] =	ssyncset.done $0x0  }
0xd6: {  	s17 =	simm.s32 $0x0;
	[sflag:s21] =	ssyncadd.s32 $0xFFFFC000  }
.LBB2_13:
0xd7: {  	s0 =	simm.s32 $0x4  }
0xd8: {  	_ =	swait.ge [sflag:s0], $0x4000  }
0xd9: {  	[sflag:s0] =	ssyncset.done $0x0  }
0xda: {  	[sflag:s0] =	ssyncadd.s32 $0xFFFFC000  }
.LBB2_14:
0xdb: {  	s2 =	simm.s32 $0x8;
	s0 =	simm.s32 $0x45F0;
	s1 =	simm.s32 $0x1  }
0xdc: {  	s3 =	simm.s32 $0x2;
	v4 =	vadd.s32 s2, v1;
	v6 =	vadd.s32 s1, v1;
	v7 =	vld [tilespmem:s0+$0xFFFFFE30]  }
0xdd: {  	v8 =	vadd.s32 s3, v1;
	v9 =	vld [tilespmem:s0+$0xFFFFFE50];
	v4 =	vand.u32 $0x3FF8, v4  }
0xde: {  	s4 =	simm.s32 $0x3;
	v5 =	vld [tilespmem:s0+$0xFFFFFF10];
	v4 =	vor.u32 v3, v4  }
0xdf: {  	s6 =	simm.s32 $0x4;
	v10 =	vadd.s32 s4, v1;
	v11 =	vld [tilespmem:s0+$0xFFFFFE70]  }
0xe0: {  	s8 =	simm.s32 $0x5;
	v12 =	vadd.s32 s6, v1;
	v13 =	vld [tilespmem:s0+$0xFFFFFE90]  }
0xe1: {  	s25 =	simm.s32 $0x6;
	v15 =	vadd.s32 s8, v1;
	v16 =	vld [tilespmem:s0+$0xFFFFFEB0];
	[tilespmem:v6+s18+$0x0] =	vst.idx.msk $0xffff, v7  }
0xe2: {  	s9 =	simm.s32 $0x7;
	v14 =	vadd.s32 s2, v2;
	[tilespmem:v8+s18+$0x0] =	vst.idx.msk $0xffff, v9;
	v6 =	vadd.s32 s25, v1;
	v7 =	vld [tilespmem:s0+$0xFFFFFED0]  }
0xe3: {  	v8 =	vadd.s32 s9, v1;
	v9 =	vld [tilespmem:s0+$0xFFFFFEF0];
	[tilespmem:v4+s18+$0x0] =	vst.idx.msk $0xffff, v5;
	v4 =	vand.u32 $0x7FF8, v14  }
0xe4: {  	s10 =	simm.s32 $0x9;
	[tilespmem:v10+s18+$0x0] =	vst.idx.msk $0xffff, v11;
	v5 =	vld [tilespmem:s0+$0xFFFFFF20];
	v4 =	vor.u32 v3, v4  }
0xe5: {  	s11 =	simm.s32 $0xA;
	[tilespmem:v12+s18+$0x0] =	vst.idx.msk $0xffff, v13;
	v10 =	vadd.s32 s10, v1;
	v11 =	vld [tilespmem:s0+$0xFFFFFF30]  }
0xe6: {  	s30 =	simm.s32 $0x0;
	[tilespmem:v15+s18+$0x0] =	vst.idx.msk $0xffff, v16;
	v12 =	vadd.s32 s11, v1;
	v13 =	vld [tilespmem:s0+$0xFFFFFF50]  }
0xe7: {  	s15 =	simm.s32 $0xC;
	v15 =	vor.u32 s30, v1;
	v14 =	vld [tilespmem:s0+$0xFFFFFE10];
	[tilespmem:v6+s18+$0x0] =	vst.idx.msk $0xffff, v7  }
0xe8: {  	s12 =	simm.s32 $0xB;
	v6 =	vadd.s32 s15, v1;
	v7 =	vld [tilespmem:s0+$0xFFFFFF90];
	[tilespmem:v8+s18+$0x0] =	vst.idx.msk $0xffff, v9  }
0xe9: {  	s16 =	simm.s32 $0xD;
	[tilespmem:v4+s18+$0x0] =	vst.idx.msk $0xffff, v5;
	v4 =	vadd.s32 s12, v1;
	v5 =	vld [tilespmem:s0+$0xFFFFFF70]  }
0xea: {  	s7 =	simm.s32 $0xF;
	v8 =	vadd.s32 s16, v1;
	v9 =	vld [tilespmem:s0+$0xFFFFFFB0];
	[tilespmem:v10+s18+$0x0] =	vst.idx.msk $0xffff, v11  }
0xeb: {  	s19 =	simm.s32 $0xE;
	[tilespmem:v12+s18+$0x0] =	vst.idx.msk $0xffff, v13;
	v12 =	vadd.s32 s7, v1;
	v13 =	vld [tilespmem:s0+$0xFFFFFFF0]  }
0xec: {  	v10 =	vadd.s32 s19, v1;
	v11 =	vld [tilespmem:s0+$0xFFFFFFD0];
	[tilespmem:v15+s18+$0x0] =	vst.idx.msk $0xffff, v14  }
0xed: {  	v63 =	vld [tilespmem:s0+$0xFFFFFF00];
	v15 =	vadd.s32 s9, v2;
	[tilespmem:v6+s18+$0x0] =	vst.idx.msk $0xffff, v7  }
0xee: {  	[tilespmem:v4+s18+$0x0] =	vst.idx.msk $0xffff, v5;
	v4 =	vadd.s32 s1, v2;
	v5 =	vld [tilespmem:s0+$0xFFFFFE40]  }
0xef: {  	[tilespmem:v8+s18+$0x0] =	vst.idx.msk $0xffff, v9;
	v8 =	vadd.s32 s4, v2;
	v9 =	vld [tilespmem:s0+$0xFFFFFE80]  }
0xf0: {  	v14 =	vld [tilespmem:s0+$0xFFFFFEC0];
	[tilespmem:v12+s18+$0x0] =	vst.idx.msk $0xffff, v13;
	v13 =	vadd.s32 s8, v2  }
0xf1: {  	[tilespmem:v10+s18+$0x0] =	vst.idx.msk $0xffff, v11;
	v10 =	vadd.s32 s6, v2;
	v11 =	vld [tilespmem:s0+$0xFFFFFEA0]  }
0xf2: {  	v6 =	vadd.s32 s3, v2;
	v7 =	vld [tilespmem:s0+$0xFFFFFE60];
	[tilespmem:v15+s18+$0x0] =	vst.idx.msk $0xffff, v63  }
0xf3: {  	[tilespmem:v4+s18+$0x0] =	vst.idx.msk $0xffff, v5;
	v4 =	vadd.s32 s25, v2;
	v5 =	vld [tilespmem:s0+$0xFFFFFEE0]  }
0xf4: {  	v17 =	vld [tilespmem:s0+$0xFFFFFF40];
	[tilespmem:v8+s18+$0x0] =	vst.idx.msk $0xffff, v9;
	v8 =	vadd.s32 s10, v2  }
0xf5: {  	v12 =	vld [tilespmem:s0+$0xFFFFFF60];
	[tilespmem:v13+s18+$0x0] =	vst.idx.msk $0xffff, v14;
	v13 =	vadd.s32 s11, v2  }
0xf6: {  	[tilespmem:v10+s18+$0x0] =	vst.idx.msk $0xffff, v11;
	v9 =	vld [tilespmem:s0+$0xFFFFFF80];
	v11 =	vadd.s32 s12, v2  }
0xf7: {  	[tilespmem:v6+s18+$0x0] =	vst.idx.msk $0xffff, v7;
	v6 =	vld [tilespmem:s0+$0xFFFFFFA0];
	v7 =	vadd.s32 s15, v2  }
0xf8: {  	[tilespmem:v4+s18+$0x0] =	vst.idx.msk $0xffff, v5;
	v4 =	vadd.s32 s16, v2;
	v5 =	vld [tilespmem:s0+$0xFFFFFFC0]  }
0xf9: {  	s31 =	simm.s32 $0x10;
	s9 =	simm.s32 $0x18;
	s1 =	simm.s32 $0x20;
	v14 =	vadd.s32 s30, v2;
	v10 =	vld [tilespmem:s0+$0xFFFFFFE0];
	[tilespmem:v8+s18+$0x0] =	vst.idx.msk $0xffff, v17;
	v8 =	vadd.s32 s19, v2  }
.LBB2_15:
0xfa: {  	p0 =	slt.u32 s1, $0x1F0;
	v15 =	vadd.s32 s9, v1;
	v14 =	vand.u32 $0x7FF8, v14;
	[tilespmem:v13+s18+$0x0] =	vst.idx.msk $0xffff, v12;
	v12 =	vadd.s32 s7, v2;
	v13 =	vld [tilespmem:s0+$0x0]  }
0xfb: {  	v15 =	vand.u32 $0x3FF8, v15;
	v16 =	vld [tilespmem:s0+$0xFFFFFE20];
	v14 =	vor.u32 v3, v14;
	[tilespmem:v11+s18+$0x0] =	vst.idx.msk $0xffff, v9;
	s0 =	sadd.s32 $0x200, s0  }
0xfc: {  	s8 =	sadd.s32 $0x1, s31;
	v9 =	vld [tilespmem:s0+$0xFFFFFF10];
	v11 =	vor.u32 v3, v15;
	[tilespmem:v7+s18+$0x0] =	vst.idx.msk $0xffff, v6  }
0xfd: {  	s12 =	sadd.s32 $0x2, s31;
	v6 =	vadd.s32 s8, v1;
	v7 =	vld [tilespmem:s0+$0xFFFFFE30];
	[tilespmem:v4+s18+$0x0] =	vst.idx.msk $0xffff, v5  }
0xfe: {  	s15 =	sadd.s32 $0x3, s31;
	v4 =	vadd.s32 s12, v1;
	v5 =	vld [tilespmem:s0+$0xFFFFFE50];
	[tilespmem:v8+s18+$0x0] =	vst.idx.msk $0xffff, v10  }
0xff: {  	s16 =	sadd.s32 $0x4, s31;
	v8 =	vadd.s32 s15, v1;
	v10 =	vld [tilespmem:s0+$0xFFFFFE70];
	[tilespmem:v12+s18+$0x0] =	vst.idx.msk $0xffff, v13  }
0x100: {  	s20 =	sadd.s32 $0x5, s31;
	v15 =	vadd.s32 s9, v2;
	v12 =	vadd.s32 s16, v1;
	v13 =	vld [tilespmem:s0+$0xFFFFFE90];
	[tilespmem:v14+s18+$0x0] =	vst.idx.msk $0xffff, v16  }
0x101: {  	v14 =	vadd.s32 s20, v1;
	v16 =	vld [tilespmem:s0+$0xFFFFFEB0];
	[tilespmem:v11+s18+$0x0] =	vst.idx.msk $0xffff, v9;
	v9 =	vand.u32 $0x7FF8, v15  }
0x102: {  	s2 =	sadd.s32 $0x6, s31;
	[tilespmem:v6+s18+$0x0] =	vst.idx.msk $0xffff, v7;
	v6 =	vld [tilespmem:s0+$0xFFFFFF20];
	v7 =	vor.u32 v3, v9  }
0x103: {  	s9 =	sadd.s32 $0x7, s31;
	[tilespmem:v4+s18+$0x0] =	vst.idx.msk $0xffff, v5;
	v4 =	vadd.s32 s2, v1;
	v5 =	vld [tilespmem:s0+$0xFFFFFED0]  }
0x104: {  	s23 =	sadd.s32 $0x9, s31;
	[tilespmem:v8+s18+$0x0] =	vst.idx.msk $0xffff, v10;
	v8 =	vadd.s32 s9, v1;
	v9 =	vld [tilespmem:s0+$0xFFFFFEF0]  }
0x105: {  	s24 =	sadd.s32 $0xA, s31;
	v10 =	vadd.s32 s23, v1;
	[tilespmem:v12+s18+$0x0] =	vst.idx.msk $0xffff, v13;
	v11 =	vld [tilespmem:s0+$0xFFFFFF30]  }
0x106: {  	s25 =	sadd.s32 $0xB, s31;
	v12 =	vadd.s32 s24, v1;
	[tilespmem:v14+s18+$0x0] =	vst.idx.msk $0xffff, v16;
	v13 =	vld [tilespmem:s0+$0xFFFFFF50]  }
0x107: {  	s10 =	sadd.s32 $0xC, s31;
	[tilespmem:v7+s18+$0x0] =	vst.idx.msk $0xffff, v6;
	v6 =	vadd.s32 s25, v1;
	v7 =	vld [tilespmem:s0+$0xFFFFFF70]  }
0x108: {  	s4 =	sadd.s32 $0xD, s31;
	[tilespmem:v4+s18+$0x0] =	vst.idx.msk $0xffff, v5;
	v4 =	vadd.s32 s10, v1;
	v5 =	vld [tilespmem:s0+$0xFFFFFF90]  }
0x109: {  	s6 =	sadd.s32 $0xE, s31;
	[tilespmem:v8+s18+$0x0] =	vst.idx.msk $0xffff, v9;
	v8 =	vadd.s32 s4, v1;
	v9 =	vld [tilespmem:s0+$0xFFFFFFB0]  }
0x10a: {  	s7 =	sadd.s32 $0xF, s31;
	[tilespmem:v10+s18+$0x0] =	vst.idx.msk $0xffff, v11;
	v10 =	vadd.s32 s6, v1;
	v11 =	vld [tilespmem:s0+$0xFFFFFFD0]  }
0x10b: {  	[tilespmem:v12+s18+$0x0] =	vst.idx.msk $0xffff, v13;
	v12 =	vadd.s32 s7, v1;
	v13 =	vld [tilespmem:s0+$0xFFFFFFF0]  }
0x10c: {  	v15 =	vor.u32 s31, v1;
	v14 =	vld [tilespmem:s0+$0xFFFFFE10];
	[tilespmem:v6+s18+$0x0] =	vst.idx.msk $0xffff, v7  }
0x10d: {  	v6 =	vadd.s32 s8, v2;
	v7 =	vld [tilespmem:s0+$0xFFFFFE40];
	[tilespmem:v4+s18+$0x0] =	vst.idx.msk $0xffff, v5  }
0x10e: {  	v4 =	vadd.s32 s12, v2;
	v5 =	vld [tilespmem:s0+$0xFFFFFE60];
	[tilespmem:v8+s18+$0x0] =	vst.idx.msk $0xffff, v9  }
0x10f: {  	v8 =	vadd.s32 s15, v2;
	v9 =	vld [tilespmem:s0+$0xFFFFFE80];
	[tilespmem:v10+s18+$0x0] =	vst.idx.msk $0xffff, v11  }
0x110: {  	v10 =	vadd.s32 s16, v2;
	v11 =	vld [tilespmem:s0+$0xFFFFFEA0];
	[tilespmem:v12+s18+$0x0] =	vst.idx.msk $0xffff, v13  }
0x111: {  	[tilespmem:v15+s18+$0x0] =	vst.idx.msk $0xffff, v14;
	v14 =	vadd.s32 s20, v2;
	v15 =	vld [tilespmem:s0+$0xFFFFFEC0]  }
0x112: {  	[tilespmem:v6+s18+$0x0] =	vst.idx.msk $0xffff, v7;
	v6 =	vadd.s32 s2, v2;
	v7 =	vld [tilespmem:s0+$0xFFFFFEE0]  }
0x113: {  	[tilespmem:v4+s18+$0x0] =	vst.idx.msk $0xffff, v5;
	v4 =	vadd.s32 s9, v2;
	v5 =	vld [tilespmem:s0+$0xFFFFFF00]  }
0x114: {  	[tilespmem:v8+s18+$0x0] =	vst.idx.msk $0xffff, v9;
	v8 =	vadd.s32 s23, v2;
	v16 =	vld [tilespmem:s0+$0xFFFFFF40]  }
.Ltmp9:
0x115: {  	v13 =	vadd.s32 s24, v2;
	[tilespmem:v10+s18+$0x0] =	vst.idx.msk $0xffff, v11;
	v12 =	vld [tilespmem:s0+$0xFFFFFF60];
	(pc) =	sbr.rel @p0 .LBB2_15-.Ltmp9, $4  }
0x116: {  	v11 =	vadd.s32 s25, v2;
	[tilespmem:v14+s18+$0x0] =	vst.idx.msk $0xffff, v15;
	v9 =	vld [tilespmem:s0+$0xFFFFFF80]  }
0x117: {  	[tilespmem:v6+s18+$0x0] =	vst.idx.msk $0xffff, v7;
	v7 =	vadd.s32 s10, v2;
	v6 =	vld [tilespmem:s0+$0xFFFFFFA0]  }
0x118: {  	[tilespmem:v4+s18+$0x0] =	vst.idx.msk $0xffff, v5;
	v4 =	vadd.s32 s4, v2;
	v5 =	vld [tilespmem:s0+$0xFFFFFFC0]  }
0x119: {  	s9 =	sadd.s32 $0x8, s1;
	v14 =	vadd.s32 s31, v2;
	s31 =	smov.u32 s1;
	s1 =	sadd.s32 $0x10, s1;
	[tilespmem:v8+s18+$0x0] =	vst.idx.msk $0xffff, v16;
	v8 =	vadd.s32 s6, v2;
	v10 =	vld [tilespmem:s0+$0xFFFFFFE0]  }
0x11a: {  	_ =	sdelay $0x3  }
0x11b: {  	v14 =	vand.u32 $0x7FF8, v14;
	[tilespmem:v13+s18+$0x0] =	vst.idx.msk $0xffff, v12;
	v45 =	vadd.s32 s7, v2;
	v46 =	vld [tilespmem:s0+$0x0]  }
0x11c: {  	v16 =	vld [tilespmem:s0+$0xFFFFFE20];
	s23 =	sadd.s32 $0x200, s0;
	s3 =	sadd.s32 $0x4, s31;
	v14 =	vor.u32 v3, v14;
	[tilespmem:v11+s18+$0x0] =	vst.idx.msk $0xffff, v9  }
0x11d: {  	v15 =	vadd.s32 s9, v1;
	s6 =	sadd.s32 $0x5, s31;
	v47 =	vadd.s32 s3, v1;
	v48 =	vld [tilespmem:s23+$0xFFFFFE90];
	[tilespmem:v7+s18+$0x0] =	vst.idx.msk $0xffff, v6  }
0x11e: {  	v15 =	vand.u32 $0x3FF8, v15;
	v50 =	vadd.s32 s6, v1;
	v51 =	vld [tilespmem:s23+$0xFFFFFEB0];
	[tilespmem:v4+s18+$0x0] =	vst.idx.msk $0xffff, v5  }
0x11f: {  	s2 =	sadd.s32 $0x2, s31;
	v9 =	vld [tilespmem:s23+$0xFFFFFF10];
	v11 =	vor.u32 v3, v15;
	[tilespmem:v8+s18+$0x0] =	vst.idx.msk $0xffff, v10  }
0x120: {  	s1 =	sadd.s32 $0x1, s31;
	v4 =	vadd.s32 s2, v1;
	v5 =	vld [tilespmem:s23+$0xFFFFFE50];
	[tilespmem:v45+s18+$0x0] =	vst.idx.msk $0xffff, v46  }
0x121: {  	s4 =	sadd.s32 $0x3, s31;
	v6 =	vadd.s32 s1, v1;
	v7 =	vld [tilespmem:s23+$0xFFFFFE30];
	[tilespmem:v14+s18+$0x0] =	vst.idx.msk $0xffff, v16  }
0x122: {  	s10 =	sadd.s32 $0xA, s31;
	v8 =	vadd.s32 s4, v1;
	v10 =	vld [tilespmem:s23+$0xFFFFFE70];
	[tilespmem:v47+s18+$0x0] =	vst.idx.msk $0xffff, v48  }
0x123: {  	s19 =	sadd.s32 $0xF, s31;
	v52 =	vadd.s32 s10, v1;
	v53 =	vld [tilespmem:s23+$0xFFFFFF50];
	[tilespmem:v50+s18+$0x0] =	vst.idx.msk $0xffff, v51  }
0x124: {  	v49 =	vadd.s32 s9, v2;
	s24 =	sadd.s32 $0x6, s31;
	v54 =	vadd.s32 s19, v1;
	v55 =	vld [tilespmem:s23+$0xFFFFFFF0];
	[tilespmem:v11+s18+$0x0] =	vst.idx.msk $0xffff, v9  }
0x125: {  	v9 =	vand.u32 $0x7FF8, v49;
	[tilespmem:v4+s18+$0x0] =	vst.idx.msk $0xffff, v5;
	v4 =	vadd.s32 s24, v1;
	v5 =	vld [tilespmem:s23+$0xFFFFFED0]  }
0x126: {  	s8 =	sadd.s32 $0x7, s31;
	[tilespmem:v6+s18+$0x0] =	vst.idx.msk $0xffff, v7;
	v6 =	vld [tilespmem:s23+$0xFFFFFF20];
	v7 =	vor.u32 v3, v9  }
0x127: {  	s25 =	sadd.s32 $0x9, s31;
	v9 =	vld [tilespmem:s23+$0xFFFFFEF0];
	[tilespmem:v8+s18+$0x0] =	vst.idx.msk $0xffff, v10;
	v8 =	vadd.s32 s8, v1  }
0x128: {  	[tilespmem:v52+s18+$0x0] =	vst.idx.msk $0xffff, v53;
	v11 =	vld [tilespmem:s23+$0xFFFFFF30];
	v10 =	vadd.s32 s25, v1  }
0x129: {  	s12 =	sadd.s32 $0xC, s31;
	v57 =	vor.u32 s31, v1;
	v56 =	vld [tilespmem:s23+$0xFFFFFE10];
	[tilespmem:v54+s18+$0x0] =	vst.idx.msk $0xffff, v55  }
0x12a: {  	s11 =	sadd.s32 $0xB, s31;
	[tilespmem:v4+s18+$0x0] =	vst.idx.msk $0xffff, v5;
	v4 =	vadd.s32 s12, v1;
	v5 =	vld [tilespmem:s23+$0xFFFFFF90]  }
0x12b: {  	s15 =	sadd.s32 $0xD, s31;
	[tilespmem:v7+s18+$0x0] =	vst.idx.msk $0xffff, v6;
	v6 =	vadd.s32 s11, v1;
	v7 =	vld [tilespmem:s23+$0xFFFFFF70]  }
0x12c: {  	s16 =	sadd.s32 $0xE, s31;
	[tilespmem:v8+s18+$0x0] =	vst.idx.msk $0xffff, v9;
	v8 =	vadd.s32 s15, v1;
	v9 =	vld [tilespmem:s23+$0xFFFFFFB0]  }
0x12d: {  	[tilespmem:v10+s18+$0x0] =	vst.idx.msk $0xffff, v11;
	v10 =	vadd.s32 s16, v1;
	v11 =	vld [tilespmem:s23+$0xFFFFFFD0]  }
0x12e: {  	v58 =	vadd.s32 s6, v2;
	[tilespmem:v57+s18+$0x0] =	vst.idx.msk $0xffff, v56;
	v59 =	vld [tilespmem:s23+$0xFFFFFEC0]  }
0x12f: {  	[tilespmem:v4+s18+$0x0] =	vst.idx.msk $0xffff, v5;
	v4 =	vadd.s32 s2, v2;
	v5 =	vld [tilespmem:s23+$0xFFFFFE60]  }
0x130: {  	[tilespmem:v6+s18+$0x0] =	vst.idx.msk $0xffff, v7;
	v6 =	vadd.s32 s1, v2;
	v7 =	vld [tilespmem:s23+$0xFFFFFE40]  }
0x131: {  	v62 =	vadd.s32 s31, v2;
	[tilespmem:v8+s18+$0x0] =	vst.idx.msk $0xffff, v9;
	v8 =	vadd.s32 s4, v2;
	v9 =	vld [tilespmem:s23+$0xFFFFFE80]  }
0x132: {  	v14 =	vand.u32 $0x7FF8, v62;
	[tilespmem:v10+s18+$0x0] =	vst.idx.msk $0xffff, v11;
	v10 =	vadd.s32 s3, v2;
	v11 =	vld [tilespmem:s23+$0xFFFFFEA0]  }
0x133: {  	v15 =	vld [tilespmem:s23+$0xFFFFFE20];
	v14 =	vor.u32 v3, v14;
	[tilespmem:v58+s18+$0x0] =	vst.idx.msk $0xffff, v59  }
0x134: {  	[tilespmem:v4+s18+$0x0] =	vst.idx.msk $0xffff, v5;
	v4 =	vadd.s32 s8, v2;
	v5 =	vld [tilespmem:s23+$0xFFFFFF00]  }
0x135: {  	[tilespmem:v6+s18+$0x0] =	vst.idx.msk $0xffff, v7;
	v6 =	vadd.s32 s24, v2;
	v7 =	vld [tilespmem:s23+$0xFFFFFEE0]  }
0x136: {  	[tilespmem:v8+s18+$0x0] =	vst.idx.msk $0xffff, v9;
	v8 =	vadd.s32 s25, v2;
	v9 =	vld [tilespmem:s23+$0xFFFFFF40]  }
0x137: {  	[tilespmem:v10+s18+$0x0] =	vst.idx.msk $0xffff, v11;
	v10 =	vadd.s32 s10, v2;
	v11 =	vld [tilespmem:s23+$0xFFFFFF60]  }
0x138: {  	v60 =	vadd.s32 s11, v2;
	[tilespmem:v14+s18+$0x0] =	vst.idx.msk $0xffff, v15;
	v61 =	vld [tilespmem:s23+$0xFFFFFF80]  }
0x139: {  	s4 =	simm.s32 $0x0;
	[tilespmem:v4+s18+$0x0] =	vst.idx.msk $0xffff, v5;
	v4 =	vadd.s32 s15, v2;
	v5 =	vld [tilespmem:s23+$0xFFFFFFC0]  }
0x13a: {  	s6 =	smul.u32 $0x201, s4;
	[tilespmem:v6+s18+$0x0] =	vst.idx.msk $0xffff, v7;
	v6 =	vadd.s32 s12, v2;
	v7 =	vld [tilespmem:s23+$0xFFFFFFA0]  }
0x13b: {  	s25 =	sand.u32 $0x180, s30;
	[tilespmem:v8+s18+$0x0] =	vst.idx.msk $0xffff, v9;
	v8 =	vadd.s32 s16, v2;
	v9 =	vld [tilespmem:s23+$0xFFFFFFE0]  }
0x13c: {  	s10 =	sadd.s32 s25, s6;
	s15 =	sor.u32 $0x30, s25;
	[tilespmem:v10+s18+$0x0] =	vst.idx.msk $0xffff, v11;
	v10 =	vadd.s32 s19, v2;
	v11 =	vld [tilespmem:s23+$0x0]  }
0x13d: {  	[tilespmem:v60+s18+$0x0] =	vst.idx.msk $0xffff, v61;
	v63 =	vadd.s32 s10, v0;
	s12 =	sadd.s32 s6, s15  }
0x13e: {  	[tilespmem:v4+s18+$0x0] =	vst.idx.msk $0xffff, v5;
	v5 =	vadd.s32 s12, v0  }
0x13f: {  	p1 =	por $0x1, $0x1;
	[tilespmem:v6+s18+$0x0] =	vst.idx.msk $0xffff, v7  }
0x140: {  	s11 =	simm.s32 $0x0;
	s20 =	sor.u32 $0x10, s25;
	s0 =	sor.u32 $0x40, s25;
	[tilespmem:v8+s18+$0x0] =	vst.idx.msk $0xffff, v9  }
.Ltmp10:
0x141: {  	s7 =	sor.u32 $0x20, s25;
	s1 =	sor.u32 $0x60, s25;
	[tilespmem:v10+s18+$0x0] =	vst.idx.msk $0xffff, v11;
	(pc) =	sbr.rel @!p1 .LBB2_17-.Ltmp10, $4  }
0x142: {  	s2 =	sor.u32 $0x70, s25;
	s22 =	sadd.s32 s6, s0;
	s23 =	sor.u32 $0x50, s25;
	v4 =	vld.idx.msk [tilespmem:v63+s18+$0x0], $0xffff  }
0x143: {  	s30 =	sadd.s32 s6, s7;
	s19 =	sadd.s32 s6, s20;
	s24 =	sadd.s32 s6, s23;
	v5 =	vld.idx.msk [tilespmem:v5+s18+$0x0], $0xffff  }
0x144: {  	s31 =	sadd.s32 s6, s1;
	s3 =	sadd.s32 s6, s2;
	s16 =	sand.u32 $0x3FFFFE00, s11;
	v7 =	vadd.s32 s19, v0;
	v6 =	vadd.s32 s24, v0;
	v8 =	vadd.s32 s22, v0  }
0x145: {  	p0 =	por $0x0, $0x0;
	s4 =	simm.s32 $0x80;
	s16 =	sadd.s32 $0x10420, s16;
	v11 =	vadd.s32 s30, v0;
	v9 =	vadd.s32 s31, v0;
	v10 =	vadd.s32 s3, v0  }
0x146: {  	_ =	sdelay $0x2  }
0x147: {  	s8 =	simm.s32 $0x8  }
0x148: {  	s3 =	sadd.s32 s7, s16;
	v8 =	vld.idx.msk [tilespmem:v8+s18+$0x0], $0xffff;
	s6 =	simm.s32 $0x0;
	s7 =	sor.u32 s0, s16  }
0x149: {  	s19 =	simm.s32 $0x80;
	v11 =	vld.idx.msk [tilespmem:v11+s18+$0x0], $0xffff;
	s10 =	sadd.s32 s1, s16;
	s6 =	smul.u32 $0x201, s6  }
0x14a: {  	s30 =	sand.u32 $0x180, s4;
	v9 =	vld.idx.msk [tilespmem:v9+s18+$0x0], $0xffff;
	s2 =	sadd.s32 s2, s16;
	p1 =	por $0x1, $0x1  }
0x14b: {  	v10 =	vld.idx.msk [tilespmem:v10+s18+$0x0], $0xffff;
	p0 =	por $0x1, $0x1;
	s31 =	sor.u32 $0x30, s30;
	s22 =	sadd.s32 s30, s6  }
0x14c: {  	v13 =	vld.idx.msk [tilespmem:v6+s18+$0x0], $0xffff;
	s4 =	sand.u32 $0x3FFFFE00, s19;
	s12 =	sor.u32 $0x10, s30;
	s9 =	sadd.s32 s6, s31;
	v12 =	vadd.s32 s22, v0  }
0x14d: {  	v14 =	vld.idx.msk [tilespmem:v7+s18+$0x0], $0xffff;
	s0 =	sor.u32 $0x40, s30;
	s24 =	sor.u32 $0x50, s30;
	s1 =	sor.u32 $0x60, s30;
	v15 =	vadd.s32 s9, v0;
	[tilespmem:s7+$0x0] =	vst v8  }
.Ltmp11:
0x14e: {  	s19 =	sadd.s32 s6, s0;
	s7 =	sor.u32 $0x20, s30;
	[tilespmem:s3+$0x0] =	vst v11;
	(pc) =	sbr.rel @!p1 .LBB2_19-.Ltmp11, $4  }
0x14f: {  	s11 =	sadd.s32 s6, s12;
	s9 =	sor.u32 $0x70, s30;
	[tilespmem:s10+$0x0] =	vst v9;
	v8 =	vadd.s32 s19, v0;
	s3 =	sadd.s32 s6, s7  }
0x150: {  	v7 =	vadd.s32 s11, v0;
	s11 =	sor.u32 s20, s16;
	s20 =	sor.u32 s23, s16;
	s10 =	sadd.s32 s6, s1;
	[tilespmem:s2+$0x0] =	vst v10;
	v11 =	vadd.s32 s3, v0  }
0x151: {  	s22 =	sadd.s32 s6, s24;
	s23 =	simm.s32 $0x100;
	[tilespmem:s20+$0x0] =	vst v13;
	s6 =	sadd.s32 s6, s9;
	v9 =	vadd.s32 s10, v0;
	v12 =	vld.idx.msk [tilespmem:v12+s18+$0x0], $0xffff  }
0x152: {  	v6 =	vadd.s32 s22, v0;
	s20 =	sadd.s32 $0x10420, s4;
	[tilespmem:s11+$0x0] =	vst v14;
	s4 =	sadd.s32 s15, s16;
	v10 =	vadd.s32 s6, v0;
	s6 =	sor.u32 s25, s16;
	v13 =	vld.idx.msk [tilespmem:v15+s18+$0x0], $0xffff  }
.LBB2_20:
0x153: {  	s8 =	sadd.s32 $0x8, s8;
	s3 =	sadd.s32 s7, s20;
	s10 =	sor.u32 s0, s20  }
0x154: {  	v14 =	vld.idx.msk [tilespmem:v8+s18+$0x0], $0xffff;
	[tilespmem:s6+$0x0] =	vst v4;
	s6 =	smov.u32 s30;
	s2 =	smov.u32 s31;
	s11 =	sadd.s32 s1, s20  }
0x155: {  	s30 =	sand.u32 $0x180, s23;
	s0 =	sshrl.u32 s8, $0x5;
	s7 =	sshll.u32 s8, $0x4;
	v11 =	vld.idx.msk [tilespmem:v11+s18+$0x0], $0xffff;
	[tilespmem:s4+$0x0] =	vst v5  }
0x156: {  	s16 =	sor.u32 $0x10, s30;
	s4 =	smul.u32 $0x201, s0;
	s15 =	sand.u32 $0x3FFFFE00, s7;
	v15 =	vld.idx.msk [tilespmem:v9+s18+$0x0], $0xffff  }
0x157: {  	s31 =	sor.u32 $0x30, s30;
	s19 =	sor.u32 $0x50, s30;
	s0 =	sor.u32 $0x40, s30;
	v10 =	vld.idx.msk [tilespmem:v10+s18+$0x0], $0xffff  }
0x158: {  	p1 =	slt.u32 s8, $0x3F8;
	v4 =	vmov v12;
	s1 =	sadd.s32 s30, s4;
	s7 =	sadd.s32 s4, s16;
	v16 =	vld.idx.msk [tilespmem:v6+s18+$0x0], $0xffff  }
0x159: {  	s22 =	sadd.s32 s4, s0;
	s25 =	sadd.s32 s4, s19;
	v5 =	vmov v13;
	v12 =	vadd.s32 s1, v0;
	s1 =	sadd.s32 s4, s31;
	v17 =	vld.idx.msk [tilespmem:v7+s18+$0x0], $0xffff;
	v7 =	vadd.s32 s7, v0  }
0x15a: {  	s7 =	sor.u32 $0x20, s30;
	v8 =	vadd.s32 s22, v0;
	v6 =	vadd.s32 s25, v0;
	s22 =	sor.u32 $0x70, s30;
	v13 =	vadd.s32 s1, v0;
	s1 =	sor.u32 $0x60, s30;
	[tilespmem:s10+$0x0] =	vst v14  }
.Ltmp12:
0x15b: {  	s10 =	sadd.s32 s4, s7;
	s25 =	sadd.s32 s4, s1;
	[tilespmem:s3+$0x0] =	vst v11;
	(pc) =	sbr.rel @p1 .LBB2_20-.Ltmp12, $4  }
0x15c: {  	s9 =	sadd.s32 s9, s20;
	v11 =	vadd.s32 s10, v0;
	s3 =	sadd.s32 s4, s22;
	s4 =	sor.u32 s12, s20;
	v9 =	vadd.s32 s25, v0;
	[tilespmem:s11+$0x0] =	vst v15  }
0x15d: {  	s10 =	sor.u32 s24, s20;
	s12 =	smov.u32 s16;
	[tilespmem:s9+$0x0] =	vst v10  }
0x15e: {  	s23 =	sadd.s32 $0x80, s23;
	s24 =	smov.u32 s19;
	v10 =	vadd.s32 s3, v0;
	s9 =	smov.u32 s22;
	v12 =	vld.idx.msk [tilespmem:v12+s18+$0x0], $0xffff;
	[tilespmem:s10+$0x0] =	vst v16  }
0x15f: {  	s6 =	sor.u32 s6, s20;
	v13 =	vld.idx.msk [tilespmem:v13+s18+$0x0], $0xffff;
	[tilespmem:s4+$0x0] =	vst v17;
	s4 =	sadd.s32 s2, s20;
	s20 =	sadd.s32 $0x10420, s15  }
0x160: {  	_ =	sdelay $0x2  }
0x161: {  	s16 =	smov.u32 s20;
	s25 =	smov.u32 s30;
	s15 =	smov.u32 s31  }
0x162: {  	v14 =	vmovc v4;
	v15 =	vmov v5;
	s20 =	smov.u32 s12;
	s2 =	smov.u32 s9;
	s23 =	smov.u32 s24;
	v4 =	vmov v12;
	v5 =	vmov v13  }
.LBB2_22:
0x163: {  	_ =	sdelay $0x3  }
0x164: {  	v8 =	vld.idx.msk [tilespmem:v8+s18+$0x0], $0xffff  }
0x165: {  	v11 =	vld.idx.msk [tilespmem:v11+s18+$0x0], $0xffff;
	[tilespmem:s6+$0x0] =	vst @p0 v14  }
0x166: {  	v9 =	vld.idx.msk [tilespmem:v9+s18+$0x0], $0xffff;
	[tilespmem:s4+$0x0] =	vst @p0 v15;
	s24 =	sor.u32 s25, s16  }
0x167: {  	v10 =	vld.idx.msk [tilespmem:v10+s18+$0x0], $0xffff;
	s25 =	sadd.s32 s15, s16;
	[tilespmem:s24+$0x0] =	vst v4  }
0x168: {  	s0 =	sor.u32 s0, s16;
	v6 =	vld.idx.msk [tilespmem:v6+s18+$0x0], $0xffff;
	[tilespmem:s25+$0x0] =	vst v5  }
0x169: {  	s3 =	sadd.s32 s7, s16;
	v7 =	vld.idx.msk [tilespmem:v7+s18+$0x0], $0xffff;
	[tilespmem:s0+$0x0] =	vst v8  }
0x16a: {  	s12 =	sadd.s32 s1, s16;
	[tilespmem:s3+$0x0] =	vst v11  }
0x16b: {  	s19 =	sadd.s32 s2, s16;
	[tilespmem:s12+$0x0] =	vst v9  }
0x16c: {  	s22 =	sor.u32 s23, s16;
	p0 =	seq.s32 s26, $0x18;
	[tilespmem:s19+$0x0] =	vst v10  }
.Ltmp13:
0x16d: {  	s23 =	sor.u32 s20, s16;
	[tilespmem:s22+$0x0] =	vst v6;
	(pc) =	sbr.rel @p0 .LBB2_24-.Ltmp13, $4  }
0x16e: {  	[tilespmem:s23+$0x0] =	vst v7  }
0x16f: {  	s0 =	rddreg [dreg:$0x9]  }
0x170: {  	s30 =	simm.s32 $0x4000;
	s31 =	simm.s32 $0x10420;
	s0 =	sadd.s32 s29, s0  }
0x171: {  	[hbm4b:s0+s14] =	stream.strided.scatter [tilespmem:s31], [sflag:$0x4], $0x4000, s30, s14, $0x38;
	[tilespmem:$0x14420] =	vst v63  }
0x172: {  	s0 =	rddreg [dreg:$0x8]  }
0x173: {  	s0 =	sadd.s32 s0, s28  }
0x174: {  	s1 =	rddreg [dreg:$0x1];
	s0 =	sshrl.u32 s0, $0x3  }
0x175: {  	s0 =	sadd.s32 s1, s0  }
0x176: {  	[tilespmem:s14], [sflag:$0x5] =	stream.linear.gather [hbm4b:s0+s17], $0x200, $0x38;
	[tilespmem:$0x14420] =	vst v63  }
.Ltmp14:
0x177: {  	_ = 	snop;
	(pc) =	sbr.rel .LBB2_2-.Ltmp14, $4  }
0x178: {  	_ =	swait.ge [sflag:s13], $0x200  }
0x179: {  	[sflag:s13] =	ssyncset.done $0x0  }
0x17a: {  	s31 =	simm.s32 $0x4400;
	s26 =	sadd.s32 $0x1, s26;
	[sflag:s13] =	ssyncadd.s32 $0xFFFFFE00  }
0x17b: {  	[tilespmem:s31], [sflag:$0x2] =	stream.indirect.gather [hbm4b:s5+s14], $0x20, s14, s14, $0xb8;
	[tilespmem:$0x14420] =	vst v63  }
.LBB2_5:
.Ltmp15:
0x17c: {  	(pc) =	sbr.rel .LBB2_10-.Ltmp15, $2  }
0x17d: {  	_ =	sdelay $0x2  }
0x17e: {  	_ = 	snop  }
.LBB2_17:
.Ltmp16:
0x17f: {  	(pc) =	sbr.rel .LBB2_22-.Ltmp16, $2  }
0x180: {  	_ =	sdelay $0x2  }
0x181: {  	_ = 	snop  }
.LBB2_7:
.Ltmp17:
0x182: {  	_ = 	snop;
	(pc) =	sbr.rel .LBB2_10-.Ltmp17, $3  }
0x183: {  	_ =	sdelay $0x1  }
0x184: {  	s9 =	smov.u32 s16;
	s29 =	smov.u32 s24;
	s30 =	smov.u32 s25  }
0x185: {  	v14 =	vmovc v4;
	v15 =	vmov v5;
	s16 =	smov.u32 s8;
	s23 =	smov.u32 s15;
	s20 =	smov.u32 s7;
	v4 =	vmov v12;
	v5 =	vmov v13  }
.LBB2_19:
.Ltmp18:
0x186: {  	_ = 	snop;
	(pc) =	sbr.rel .LBB2_22-.Ltmp18, $3  }
0x187: {  	_ =	sdelay $0x1  }
0x188: {  	s16 =	smov.u32 s20;
	s25 =	smov.u32 s30;
	s15 =	smov.u32 s31  }
0x189: {  	v14 =	vmovc v4;
	v15 =	vmov v5;
	s20 =	smov.u32 s12;
	s2 =	smov.u32 s9;
	s23 =	smov.u32 s24;
	v4 =	vmov v12;
	v5 =	vmov v13  }
.LBB2_25:
0x18a: {  	_ =	sfence.sel $0x180000  }
0x18b: {  	[bflag:$0x0] =	sbarrier.arrive $0xFFFF  }
0x18c: {  	_ =	strace $0x90000047  }
0x18d: {  	s0 =	stileid.u32;
	[bflag:$0x2] =	sbarrier.arrive $0xFFFF  }
0x18e: {  	p0 =	sne.s32 s0, $0x0;
	s0 =	rddreg [dreg:$0x2]  }
0x18f: {  	s0 =	sadd.s32 @!p0 $0x100000, s0  }
0x190: {  	[sflag:s0] =	ssyncadd.tile.s32 @!p0 $0x1;
	_ =	shalt  }
.Lfunc_end2:
_tile_overlayer_lowered:
.L_overlay_start_2:
0x191: {  	(tag) =	ssettag $0x2  }
0x192: {  	s0 =	rddreg [dreg:$0x0];
	s2 =	stileid.u32  }
0x193: {  	s1 =	rddreg [dreg:$0x1];
	p0 =	sne.s32 s2, $0x0  }
0x194: {  	s3 =	rddreg [dreg:$0x2];
	[bflag:$0x3] =	sbarrier.arrive $0xFFFF;
	s2 =	simm.s32 @!p0 $0x1C05  }
0x195: {  	[timem:s3], [sflag:s2] =	dma.local @!p0 [hbm:s0], s1  }
0x196: {  	s0 =	simm.s32 @!p0 $0x5  }
0x197: {  	_ =	swait.ge @!p0 [sflag:s0], s1  }
0x198: {  	s1 =	ssub.s32 @!p0 $0x0, s1;
	[sflag:s0] =	ssyncset.done @!p0 $0x0  }
0x199: {  	[sflag:s0] =	ssyncadd.s32 @!p0 s1  }
0x19a: {  	[bflag:$0x3] =	sbarrier.arrive $0xFFFF  }
0x19b: {  	_ =	shalt  }

</sc_bundles>
